<compile_context>
chip_gen: v7x
topology: tpu7x:2x2x1
jax: 0.10.2.dev20260603
libtpu: 0.0.44.dev20260713+nightly
codegen_flags: <defaults>
</compile_context>

<pallas_src>
import functools

import jax
import jax.numpy as jnp
from jax import lax
from jax.experimental import pallas as pl
from jax.experimental.pallas import tpu as pltpu
from jax.experimental.pallas import tpu_sc as plsc

D = 128
VOCAB = 5000
NC, NS = 2, 16
NW = NC * NS
BATCH, HIST = 4096, 200
B = BATCH * HIST
B_PER_W = B // NW
GROW = 64
CHUNK = 2 * GROW
NCH = B_PER_W // CHUNK
NIR = NCH

_mesh = plsc.VectorSubcoreMesh(core_axis_name="c", subcore_axis_name="s")


@functools.partial(
    pl.kernel,
    mesh=_mesh,
    out_type=jax.ShapeDtypeStruct((B, D), jnp.float32),
    scratch_types=[
        pltpu.VMEM((NIR, CHUNK), jnp.int32),
        pltpu.VMEM((CHUNK, D), jnp.float32),
        pltpu.VMEM((CHUNK, D), jnp.float32),
        pltpu.VMEM((CHUNK, D), jnp.float32),
        pltpu.VMEM_SHARED((VOCAB, D), jnp.float32),
        pltpu.SemaphoreType.DMA,
        pltpu.SemaphoreType.DMA,
        pltpu.SemaphoreType.DMA,
        pltpu.SemaphoreType.DMA,
        pltpu.SemaphoreType.DMA,
        pltpu.SemaphoreType.DMA,
        pltpu.SemaphoreType.DMA,
        pltpu.SemaphoreType.DMA,
        pltpu.SemaphoreType.DMA,
        pltpu.SemaphoreType.DMA,
        pltpu.SemaphoreType.DMA,
        pltpu.SemaphoreType.DMA,
    ],
)
def _emb_lookup(x_hbm, table_hbm, out_hbm, idx_v,
                rows0, rows1, rows2, table_sh,
                g00, g01, g10, g11, g20, g21,
                w00, w01, w10, w11, w20, w21):
    rows = (rows0, rows1, rows2)
    gsem = ((g00, g01), (g10, g11), (g20, g21))
    wsem = ((w00, w01), (w10, w11), (w20, w21))

    wid = lax.axis_index("s") * NC + lax.axis_index("c")
    base = wid * B_PER_W

    sid = lax.axis_index("s")
    pltpu.sync_copy(table_hbm.at[pl.ds(312 * sid, 320)],
                    table_sh.at[pl.ds(312 * sid, 320)])
    pltpu.sync_copy(x_hbm.at[pl.ds(wid * NIR, NIR)], idx_v)
    plsc.subcore_barrier()

    def fire_gather(c, b, h):
        pltpu.async_copy(table_sh.at[idx_v.at[c, pl.ds(h * GROW, GROW)]],
                         rows[b].at[pl.ds(h * GROW, GROW)], gsem[b][h])

    def drain_gather(b, h):
        pltpu.make_async_copy(table_sh.at[idx_v.at[0, pl.ds(0, GROW)]],
                              rows[b].at[pl.ds(h * GROW, GROW)],
                              gsem[b][h]).wait()

    def fire_write(i, b, h):
        pltpu.async_copy(rows[b].at[pl.ds(h * GROW, GROW)],
                         out_hbm.at[pl.ds(base + i * CHUNK + h * GROW, GROW)],
                         wsem[b][h])

    def drain_write(b, h):
        pltpu.make_async_copy(rows[b].at[pl.ds(h * GROW, GROW)],
                              out_hbm.at[pl.ds(base, GROW)],
                              wsem[b][h]).wait()

    def fire_gather2(c, b):
        fire_gather(c, b, 0)
        fire_gather(c, b, 1)

    fire_gather2(0, 0)
    fire_gather2(1, 1)

    fire_gather2(2, 2)
    drain_gather(0, 0)
    fire_write(0, 0, 0)
    drain_gather(0, 1)
    fire_write(0, 0, 1)
    drain_write(0, 0)
    drain_write(0, 1)
    fire_gather2(3, 0)
    drain_gather(1, 0)
    fire_write(1, 1, 0)
    drain_gather(1, 1)
    fire_write(1, 1, 1)
    drain_write(1, 0)
    drain_write(1, 1)
    fire_gather2(4, 1)
    drain_gather(2, 0)
    fire_write(2, 2, 0)
    drain_gather(2, 1)
    fire_write(2, 2, 1)

    def sub_iter(i, b):
        tb = (b + 2) % 3
        drain_gather(b, 0)
        fire_write(i, b, 0)
        drain_gather(b, 1)
        fire_write(i, b, 1)
        drain_write(tb, 0)
        drain_write(tb, 1)
        fire_gather2(i + 2, tb)

    def body(g, carry):
        for b in range(3):
            sub_iter(3 * g + b, b)
        return carry

    lax.fori_loop(1, 66, body, None)

    for i in (198, 199):
        b = i % 3
        tb = (b + 2) % 3
        drain_gather(b, 0)
        fire_write(i, b, 0)
        drain_gather(b, 1)
        fire_write(i, b, 1)
        drain_write(tb, 0)
        drain_write(tb, 1)
    drain_write(199 % 3, 0)
    drain_write(199 % 3, 1)


def kernel(x, table):
    x2 = x.reshape(NW * NIR, CHUNK).astype(jnp.int32)
    out = _emb_lookup(x2, table)
    return out.reshape(BATCH, HIST, D)

# --- scband reference (transcript-rebuilt; emitter-appended) ---
"""Pipeline reference for scband-positional-encoding-76046690943153 (READ-ONLY COPY).

The authoritative reference and input builder live on the scoring server;
editing this copy changes nothing except your own understanding.
"""

import jax, jax.numpy as jnp
import numpy as np

MAX_LEN = 5000
EMBED_DIM = 128
BATCH = 4096
HIST = 200

def setup_inputs(seed: int = 0) -> dict:
    key = jax.random.key(seed)
    k_idx, k_tab = jax.random.split(key)
    x = jax.random.randint(k_idx, (BATCH, HIST), 0, MAX_LEN, dtype=jnp.int64) if jax.config.jax_enable_x64 else jax.random.randint(k_idx, (BATCH, HIST), 0, MAX_LEN, dtype=jnp.int32)
    table = jax.random.normal(k_tab, (MAX_LEN, EMBED_DIM), dtype=jnp.float32)
    return {"x": x, "table": table}

def reference(x, table):
    # PositionalEncoding.forward: embedding lookup (dropout not applied in original forward)
    return jnp.take(table, x, axis=0)

if __name__ == "__main__":
    import jax
    _d = setup_inputs()
    print(jax.jit(kernel)(*tuple(_d.values())))

</pallas_src>

<mosaic_0001>
#map = affine_map<(d0, d1) -> (0, 0)>
module attributes {stable_mosaic.version = 14 : i64} {
  func.func @_emb_lookup(%arg0: i32, %arg1: i32, %arg2: memref<6400x128xi32, #tpu.memory_space<hbm>>, %arg3: memref<5000x128xf32, #tpu.memory_space<hbm>>, %arg4: memref<819200x128xf32, #tpu.memory_space<hbm>>, %arg5: memref<200x128xi32, #tpu.memory_space<vmem>>, %arg6: memref<128x128xf32, #tpu.memory_space<vmem>>, %arg7: memref<128x128xf32, #tpu.memory_space<vmem>>, %arg8: memref<128x128xf32, #tpu.memory_space<vmem>>, %arg9: memref<5000x128xf32, #tpu.memory_space<vmem_shared>>, %arg10: memref<!tpu.dma_semaphore, #tpu.memory_space<semaphore_mem>>, %arg11: memref<!tpu.dma_semaphore, #tpu.memory_space<semaphore_mem>>, %arg12: memref<!tpu.dma_semaphore, #tpu.memory_space<semaphore_mem>>, %arg13: memref<!tpu.dma_semaphore, #tpu.memory_space<semaphore_mem>>, %arg14: memref<!tpu.dma_semaphore, #tpu.memory_space<semaphore_mem>>, %arg15: memref<!tpu.dma_semaphore, #tpu.memory_space<semaphore_mem>>, %arg16: memref<!tpu.dma_semaphore, #tpu.memory_space<semaphore_mem>>, %arg17: memref<!tpu.dma_semaphore, #tpu.memory_space<semaphore_mem>>, %arg18: memref<!tpu.dma_semaphore, #tpu.memory_space<semaphore_mem>>, %arg19: memref<!tpu.dma_semaphore, #tpu.memory_space<semaphore_mem>>, %arg20: memref<!tpu.dma_semaphore, #tpu.memory_space<semaphore_mem>>, %arg21: memref<!tpu.dma_semaphore, #tpu.memory_space<semaphore_mem>>) attributes {dimension_semantics = [#tpu.dimension_semantics<core_parallel>, #tpu.dimension_semantics<subcore_parallel>], iteration_bounds = array<i64: 2, 16>, scalar_prefetch = 0 : i64, scratch_operands = 17 : i64, tpu.core_type = #tpu.core_type<sc_vector_subcore>, window_params = [{transform_indices = #map}, {transform_indices = #map}, {transform_indices = #map}]} {
    %mul3A = arith.constant 2 : i32
    %mul3A_0 = arith.muli %arg1, %mul3A : i32
    %add3A = arith.addi %mul3A_0, %arg0 : i32
    %mul3A_1 = arith.constant 25600 : i32
    %mul3A_2 = arith.muli %add3A, %mul3A_1 : i32
    %mul3A_3 = arith.constant 312 : i32
    %mul3A_4 = arith.muli %mul3A_3, %arg1 : i32
    %mul3A_5 = arith.constant 312 : i32
    %mul3A_6 = arith.muli %mul3A_5, %arg1 : i32
    "tpu.region"() ({
      %run_scoped3A = tpu.sem_alloc : memref<!tpu.dma_semaphore, #tpu.memory_space<semaphore_mem>>
      %dma_start3A_451 = arith.constant 0 : i32
      %dma_start3A_452 = tpu.memref_slice %arg9[%mul3A_6, %dma_start3A_451] : memref<5000x128xf32, #tpu.memory_space<vmem_shared>> -> memref<320x128xf32, #tpu.memory_space<vmem_shared>>
      %dma_start3A_453 = arith.constant 0 : i32
      %dma_start3A_454 = tpu.memref_slice %arg3[%mul3A_4, %dma_start3A_453] : memref<5000x128xf32, #tpu.memory_space<hbm>> -> memref<320x128xf32, #tpu.memory_space<hbm>>
      tpu.enqueue_dma source(%dma_start3A_454 : memref<320x128xf32, #tpu.memory_space<hbm>>) target(%dma_start3A_452 : memref<320x128xf32, #tpu.memory_space<vmem_shared>>) target_semaphore(%run_scoped3A : memref<!tpu.dma_semaphore, #tpu.memory_space<semaphore_mem>>)
      %dma_wait3A_455 = arith.constant 0 : i32
      %dma_wait3A_456 = tpu.memref_slice %arg9[%mul3A_6, %dma_wait3A_455] : memref<5000x128xf32, #tpu.memory_space<vmem_shared>> -> memref<320x128xf32, #tpu.memory_space<vmem_shared>>
      %dma_wait3A_457 = arith.constant 0 : i32
      %dma_wait3A_458 = tpu.memref_slice %arg3[%mul3A_4, %dma_wait3A_457] : memref<5000x128xf32, #tpu.memory_space<hbm>> -> memref<320x128xf32, #tpu.memory_space<hbm>>
      tpu.wait_dma2 semaphore(%run_scoped3A : memref<!tpu.dma_semaphore, #tpu.memory_space<semaphore_mem>>) src(%dma_wait3A_458 : memref<320x128xf32, #tpu.memory_space<hbm>>) dst(%dma_wait3A_456 : memref<320x128xf32, #tpu.memory_space<vmem_shared>>)
      tpu.yield
    }) : () -> ()
    %mul3A_7 = arith.constant 200 : i32
    %mul3A_8 = arith.muli %add3A, %mul3A_7 : i32
    "tpu.region"() ({
      %run_scoped3A = tpu.sem_alloc : memref<!tpu.dma_semaphore, #tpu.memory_space<semaphore_mem>>
      %dma_start3A_451 = arith.constant 0 : i32
      %dma_start3A_452 = tpu.memref_slice %arg2[%mul3A_8, %dma_start3A_451] : memref<6400x128xi32, #tpu.memory_space<hbm>> -> memref<200x128xi32, #tpu.memory_space<hbm>>
      %dma_start3A_453 = arith.constant 0 : i32
      %dma_start3A_454 = tpu.memref_slice %arg2[%mul3A_8, %dma_start3A_453] : memref<6400x128xi32, #tpu.memory_space<hbm>> -> memref<200x128xi32, #tpu.memory_space<hbm>>
      tpu.enqueue_dma source(%dma_start3A_454 : memref<200x128xi32, #tpu.memory_space<hbm>>) target(%arg5 : memref<200x128xi32, #tpu.memory_space<vmem>>) target_semaphore(%run_scoped3A : memref<!tpu.dma_semaphore, #tpu.memory_space<semaphore_mem>>)
      %dma_wait3A_455 = arith.constant 0 : i32
      %dma_wait3A_456 = tpu.memref_slice %arg2[%mul3A_8, %dma_wait3A_455] : memref<6400x128xi32, #tpu.memory_space<hbm>> -> memref<200x128xi32, #tpu.memory_space<hbm>>
      %dma_wait3A_457 = arith.constant 0 : i32
      %dma_wait3A_458 = tpu.memref_slice %arg2[%mul3A_8, %dma_wait3A_457] : memref<6400x128xi32, #tpu.memory_space<hbm>> -> memref<200x128xi32, #tpu.memory_space<hbm>>
      tpu.wait_dma2 semaphore(%run_scoped3A : memref<!tpu.dma_semaphore, #tpu.memory_space<semaphore_mem>>) src(%dma_wait3A_458 : memref<200x128xi32, #tpu.memory_space<hbm>>) dst(%arg5 : memref<200x128xi32, #tpu.memory_space<vmem>>)
      tpu.yield
    }) : () -> ()
    %barrier3A = arith.constant 0 : index
    tpu.barrier barrier_id(%barrier3A)
    %dma_start3A = arith.constant 0 : i32
    %dma_start3A_9 = arith.constant 0 : i32
    %dma_start3A_10 = arith.constant 0 : i32
    %dma_start3A_11 = tpu.memref_slice %arg6[%dma_start3A_9, %dma_start3A_10] : memref<128x128xf32, #tpu.memory_space<vmem>> -> memref<64x128xf32, #tpu.memory_space<vmem>>
    %dma_start3A_12 = arith.constant 0 : i32
    %dma_start3A_13 = tpu.memref_slice %arg5[%dma_start3A, %dma_start3A_12] : memref<200x128xi32, #tpu.memory_space<vmem>> -> memref<1x64xi32, #tpu.memory_space<vmem>>
    %dma_start3A_14 = tpu.memref_squeeze %dma_start3A_13 : memref<1x64xi32, #tpu.memory_space<vmem>> -> memref<64xi32, #tpu.memory_space<vmem>>
    %dma_start3A_15 = arith.constant 0 : i32
    %dma_start3A_16 = arith.constant 0 : i32
    %dma_start3A_17 = tpu.memref_slice %arg9[%dma_start3A_15, %dma_start3A_16] : memref<5000x128xf32, #tpu.memory_space<vmem_shared>> -> memref<5000x128xf32, #tpu.memory_space<vmem_shared>>
    tpu.enqueue_indirect_dma source(%dma_start3A_17 : memref<5000x128xf32, #tpu.memory_space<vmem_shared>>) target(%dma_start3A_11 : memref<64x128xf32, #tpu.memory_space<vmem>>) offsets(%dma_start3A_14 : memref<64xi32, #tpu.memory_space<vmem>>) semaphore(%arg10 : memref<!tpu.dma_semaphore, #tpu.memory_space<semaphore_mem>>)
    %dma_start3A_18 = arith.constant 0 : i32
    %dma_start3A_19 = arith.constant 64 : i32
    %dma_start3A_20 = arith.constant 0 : i32
    %dma_start3A_21 = tpu.memref_slice %arg6[%dma_start3A_19, %dma_start3A_20] : memref<128x128xf32, #tpu.memory_space<vmem>> -> memref<64x128xf32, #tpu.memory_space<vmem>>
    %dma_start3A_22 = arith.constant 64 : i32
    %dma_start3A_23 = tpu.memref_slice %arg5[%dma_start3A_18, %dma_start3A_22] : memref<200x128xi32, #tpu.memory_space<vmem>> -> memref<1x64xi32, #tpu.memory_space<vmem>>
    %dma_start3A_24 = tpu.memref_squeeze %dma_start3A_23 : memref<1x64xi32, #tpu.memory_space<vmem>> -> memref<64xi32, #tpu.memory_space<vmem>>
    %dma_start3A_25 = arith.constant 0 : i32
    %dma_start3A_26 = arith.constant 0 : i32
    %dma_start3A_27 = tpu.memref_slice %arg9[%dma_start3A_25, %dma_start3A_26] : memref<5000x128xf32, #tpu.memory_space<vmem_shared>> -> memref<5000x128xf32, #tpu.memory_space<vmem_shared>>
    tpu.enqueue_indirect_dma source(%dma_start3A_27 : memref<5000x128xf32, #tpu.memory_space<vmem_shared>>) target(%dma_start3A_21 : memref<64x128xf32, #tpu.memory_space<vmem>>) offsets(%dma_start3A_24 : memref<64xi32, #tpu.memory_space<vmem>>) semaphore(%arg11 : memref<!tpu.dma_semaphore, #tpu.memory_space<semaphore_mem>>)
    %dma_start3A_28 = arith.constant 1 : i32
    %dma_start3A_29 = arith.constant 0 : i32
    %dma_start3A_30 = arith.constant 0 : i32
    %dma_start3A_31 = tpu.memref_slice %arg7[%dma_start3A_29, %dma_start3A_30] : memref<128x128xf32, #tpu.memory_space<vmem>> -> memref<64x128xf32, #tpu.memory_space<vmem>>
    %dma_start3A_32 = arith.constant 0 : i32
    %dma_start3A_33 = tpu.memref_slice %arg5[%dma_start3A_28, %dma_start3A_32] : memref<200x128xi32, #tpu.memory_space<vmem>> -> memref<1x64xi32, #tpu.memory_space<vmem>>
    %dma_start3A_34 = tpu.memref_squeeze %dma_start3A_33 : memref<1x64xi32, #tpu.memory_space<vmem>> -> memref<64xi32, #tpu.memory_space<vmem>>
    %dma_start3A_35 = arith.constant 0 : i32
    %dma_start3A_36 = arith.constant 0 : i32
    %dma_start3A_37 = tpu.memref_slice %arg9[%dma_start3A_35, %dma_start3A_36] : memref<5000x128xf32, #tpu.memory_space<vmem_shared>> -> memref<5000x128xf32, #tpu.memory_space<vmem_shared>>
    tpu.enqueue_indirect_dma source(%dma_start3A_37 : memref<5000x128xf32, #tpu.memory_space<vmem_shared>>) target(%dma_start3A_31 : memref<64x128xf32, #tpu.memory_space<vmem>>) offsets(%dma_start3A_34 : memref<64xi32, #tpu.memory_space<vmem>>) semaphore(%arg12 : memref<!tpu.dma_semaphore, #tpu.memory_space<semaphore_mem>>)
    %dma_start3A_38 = arith.constant 1 : i32
    %dma_start3A_39 = arith.constant 64 : i32
    %dma_start3A_40 = arith.constant 0 : i32
    %dma_start3A_41 = tpu.memref_slice %arg7[%dma_start3A_39, %dma_start3A_40] : memref<128x128xf32, #tpu.memory_space<vmem>> -> memref<64x128xf32, #tpu.memory_space<vmem>>
    %dma_start3A_42 = arith.constant 64 : i32
    %dma_start3A_43 = tpu.memref_slice %arg5[%dma_start3A_38, %dma_start3A_42] : memref<200x128xi32, #tpu.memory_space<vmem>> -> memref<1x64xi32, #tpu.memory_space<vmem>>
    %dma_start3A_44 = tpu.memref_squeeze %dma_start3A_43 : memref<1x64xi32, #tpu.memory_space<vmem>> -> memref<64xi32, #tpu.memory_space<vmem>>
    %dma_start3A_45 = arith.constant 0 : i32
    %dma_start3A_46 = arith.constant 0 : i32
    %dma_start3A_47 = tpu.memref_slice %arg9[%dma_start3A_45, %dma_start3A_46] : memref<5000x128xf32, #tpu.memory_space<vmem_shared>> -> memref<5000x128xf32, #tpu.memory_space<vmem_shared>>
    tpu.enqueue_indirect_dma source(%dma_start3A_47 : memref<5000x128xf32, #tpu.memory_space<vmem_shared>>) target(%dma_start3A_41 : memref<64x128xf32, #tpu.memory_space<vmem>>) offsets(%dma_start3A_44 : memref<64xi32, #tpu.memory_space<vmem>>) semaphore(%arg13 : memref<!tpu.dma_semaphore, #tpu.memory_space<semaphore_mem>>)
    %dma_start3A_48 = arith.constant 2 : i32
    %dma_start3A_49 = arith.constant 0 : i32
    %dma_start3A_50 = arith.constant 0 : i32
    %dma_start3A_51 = tpu.memref_slice %arg8[%dma_start3A_49, %dma_start3A_50] : memref<128x128xf32, #tpu.memory_space<vmem>> -> memref<64x128xf32, #tpu.memory_space<vmem>>
    %dma_start3A_52 = arith.constant 0 : i32
    %dma_start3A_53 = tpu.memref_slice %arg5[%dma_start3A_48, %dma_start3A_52] : memref<200x128xi32, #tpu.memory_space<vmem>> -> memref<1x64xi32, #tpu.memory_space<vmem>>
    %dma_start3A_54 = tpu.memref_squeeze %dma_start3A_53 : memref<1x64xi32, #tpu.memory_space<vmem>> -> memref<64xi32, #tpu.memory_space<vmem>>
    %dma_start3A_55 = arith.constant 0 : i32
    %dma_start3A_56 = arith.constant 0 : i32
    %dma_start3A_57 = tpu.memref_slice %arg9[%dma_start3A_55, %dma_start3A_56] : memref<5000x128xf32, #tpu.memory_space<vmem_shared>> -> memref<5000x128xf32, #tpu.memory_space<vmem_shared>>
    tpu.enqueue_indirect_dma source(%dma_start3A_57 : memref<5000x128xf32, #tpu.memory_space<vmem_shared>>) target(%dma_start3A_51 : memref<64x128xf32, #tpu.memory_space<vmem>>) offsets(%dma_start3A_54 : memref<64xi32, #tpu.memory_space<vmem>>) semaphore(%arg14 : memref<!tpu.dma_semaphore, #tpu.memory_space<semaphore_mem>>)
    %dma_start3A_58 = arith.constant 2 : i32
    %dma_start3A_59 = arith.constant 64 : i32
    %dma_start3A_60 = arith.constant 0 : i32
    %dma_start3A_61 = tpu.memref_slice %arg8[%dma_start3A_59, %dma_start3A_60] : memref<128x128xf32, #tpu.memory_space<vmem>> -> memref<64x128xf32, #tpu.memory_space<vmem>>
    %dma_start3A_62 = arith.constant 64 : i32
    %dma_start3A_63 = tpu.memref_slice %arg5[%dma_start3A_58, %dma_start3A_62] : memref<200x128xi32, #tpu.memory_space<vmem>> -> memref<1x64xi32, #tpu.memory_space<vmem>>
    %dma_start3A_64 = tpu.memref_squeeze %dma_start3A_63 : memref<1x64xi32, #tpu.memory_space<vmem>> -> memref<64xi32, #tpu.memory_space<vmem>>
    %dma_start3A_65 = arith.constant 0 : i32
    %dma_start3A_66 = arith.constant 0 : i32
    %dma_start3A_67 = tpu.memref_slice %arg9[%dma_start3A_65, %dma_start3A_66] : memref<5000x128xf32, #tpu.memory_space<vmem_shared>> -> memref<5000x128xf32, #tpu.memory_space<vmem_shared>>
    tpu.enqueue_indirect_dma source(%dma_start3A_67 : memref<5000x128xf32, #tpu.memory_space<vmem_shared>>) target(%dma_start3A_61 : memref<64x128xf32, #tpu.memory_space<vmem>>) offsets(%dma_start3A_64 : memref<64xi32, #tpu.memory_space<vmem>>) semaphore(%arg15 : memref<!tpu.dma_semaphore, #tpu.memory_space<semaphore_mem>>)
    %dma_wait3A = arith.constant 0 : i32
    %dma_wait3A_68 = arith.constant 0 : i32
    %dma_wait3A_69 = arith.constant 0 : i32
    %dma_wait3A_70 = tpu.memref_slice %arg6[%dma_wait3A_68, %dma_wait3A_69] : memref<128x128xf32, #tpu.memory_space<vmem>> -> memref<64x128xf32, #tpu.memory_space<vmem>>
    %dma_wait3A_71 = arith.constant 0 : i32
    %dma_wait3A_72 = tpu.memref_slice %arg5[%dma_wait3A, %dma_wait3A_71] : memref<200x128xi32, #tpu.memory_space<vmem>> -> memref<1x64xi32, #tpu.memory_space<vmem>>
    %dma_wait3A_73 = tpu.memref_squeeze %dma_wait3A_72 : memref<1x64xi32, #tpu.memory_space<vmem>> -> memref<64xi32, #tpu.memory_space<vmem>>
    %dma_wait3A_74 = arith.constant 0 : i32
    %dma_wait3A_75 = arith.constant 0 : i32
    %dma_wait3A_76 = tpu.memref_slice %arg9[%dma_wait3A_74, %dma_wait3A_75] : memref<5000x128xf32, #tpu.memory_space<vmem_shared>> -> memref<5000x128xf32, #tpu.memory_space<vmem_shared>>
    tpu.wait_indirect_dma semaphore(%arg10 : memref<!tpu.dma_semaphore, #tpu.memory_space<semaphore_mem>>) src(%dma_wait3A_76 : memref<5000x128xf32, #tpu.memory_space<vmem_shared>>) dst(%dma_wait3A_70 : memref<64x128xf32, #tpu.memory_space<vmem>>)
    %add3A_77 = arith.constant 0 : i32
    %add3A_78 = arith.addi %mul3A_2, %add3A_77 : i32
    %add3A_79 = arith.constant 0 : i32
    %add3A_80 = arith.addi %add3A_78, %add3A_79 : i32
    %dma_start3A_81 = arith.constant 0 : i32
    %dma_start3A_82 = arith.constant 0 : i32
    %dma_start3A_83 = tpu.memref_slice %arg6[%dma_start3A_81, %dma_start3A_82] : memref<128x128xf32, #tpu.memory_space<vmem>> -> memref<64x128xf32, #tpu.memory_space<vmem>>
    %dma_start3A_84 = arith.constant 0 : i32
    %dma_start3A_85 = tpu.memref_slice %arg4[%add3A_80, %dma_start3A_84] : memref<819200x128xf32, #tpu.memory_space<hbm>> -> memref<64x128xf32, #tpu.memory_space<hbm>>
    %dma_start3A_86 = arith.constant 0 : i32
    %dma_start3A_87 = tpu.memref_slice %arg4[%add3A_80, %dma_start3A_86] : memref<819200x128xf32, #tpu.memory_space<hbm>> -> memref<64x128xf32, #tpu.memory_space<hbm>>
    %dma_start3A_88 = arith.constant 0 : i32
    %dma_start3A_89 = arith.constant 0 : i32
    %dma_start3A_90 = tpu.memref_slice %arg6[%dma_start3A_88, %dma_start3A_89] : memref<128x128xf32, #tpu.memory_space<vmem>> -> memref<64x128xf32, #tpu.memory_space<vmem>>
    tpu.enqueue_dma source(%dma_start3A_90 : memref<64x128xf32, #tpu.memory_space<vmem>>) target(%dma_start3A_87 : memref<64x128xf32, #tpu.memory_space<hbm>>) target_semaphore(%arg16 : memref<!tpu.dma_semaphore, #tpu.memory_space<semaphore_mem>>)
    %dma_wait3A_91 = arith.constant 0 : i32
    %dma_wait3A_92 = arith.constant 64 : i32
    %dma_wait3A_93 = arith.constant 0 : i32
    %dma_wait3A_94 = tpu.memref_slice %arg6[%dma_wait3A_92, %dma_wait3A_93] : memref<128x128xf32, #tpu.memory_space<vmem>> -> memref<64x128xf32, #tpu.memory_space<vmem>>
    %dma_wait3A_95 = arith.constant 0 : i32
    %dma_wait3A_96 = tpu.memref_slice %arg5[%dma_wait3A_91, %dma_wait3A_95] : memref<200x128xi32, #tpu.memory_space<vmem>> -> memref<1x64xi32, #tpu.memory_space<vmem>>
    %dma_wait3A_97 = tpu.memref_squeeze %dma_wait3A_96 : memref<1x64xi32, #tpu.memory_space<vmem>> -> memref<64xi32, #tpu.memory_space<vmem>>
    %dma_wait3A_98 = arith.constant 0 : i32
    %dma_wait3A_99 = arith.constant 0 : i32
    %dma_wait3A_100 = tpu.memref_slice %arg9[%dma_wait3A_98, %dma_wait3A_99] : memref<5000x128xf32, #tpu.memory_space<vmem_shared>> -> memref<5000x128xf32, #tpu.memory_space<vmem_shared>>
    tpu.wait_indirect_dma semaphore(%arg11 : memref<!tpu.dma_semaphore, #tpu.memory_space<semaphore_mem>>) src(%dma_wait3A_100 : memref<5000x128xf32, #tpu.memory_space<vmem_shared>>) dst(%dma_wait3A_94 : memref<64x128xf32, #tpu.memory_space<vmem>>)
    %add3A_101 = arith.constant 0 : i32
    %add3A_102 = arith.addi %mul3A_2, %add3A_101 : i32
    %add3A_103 = arith.constant 64 : i32
    %add3A_104 = arith.addi %add3A_102, %add3A_103 : i32
    %dma_start3A_105 = arith.constant 64 : i32
    %dma_start3A_106 = arith.constant 0 : i32
    %dma_start3A_107 = tpu.memref_slice %arg6[%dma_start3A_105, %dma_start3A_106] : memref<128x128xf32, #tpu.memory_space<vmem>> -> memref<64x128xf32, #tpu.memory_space<vmem>>
    %dma_start3A_108 = arith.constant 0 : i32
    %dma_start3A_109 = tpu.memref_slice %arg4[%add3A_104, %dma_start3A_108] : memref<819200x128xf32, #tpu.memory_space<hbm>> -> memref<64x128xf32, #tpu.memory_space<hbm>>
    %dma_start3A_110 = arith.constant 0 : i32
    %dma_start3A_111 = tpu.memref_slice %arg4[%add3A_104, %dma_start3A_110] : memref<819200x128xf32, #tpu.memory_space<hbm>> -> memref<64x128xf32, #tpu.memory_space<hbm>>
    %dma_start3A_112 = arith.constant 64 : i32
    %dma_start3A_113 = arith.constant 0 : i32
    %dma_start3A_114 = tpu.memref_slice %arg6[%dma_start3A_112, %dma_start3A_113] : memref<128x128xf32, #tpu.memory_space<vmem>> -> memref<64x128xf32, #tpu.memory_space<vmem>>
    tpu.enqueue_dma source(%dma_start3A_114 : memref<64x128xf32, #tpu.memory_space<vmem>>) target(%dma_start3A_111 : memref<64x128xf32, #tpu.memory_space<hbm>>) target_semaphore(%arg17 : memref<!tpu.dma_semaphore, #tpu.memory_space<semaphore_mem>>)
    %dma_wait3A_115 = arith.constant 0 : i32
    %dma_wait3A_116 = arith.constant 0 : i32
    %dma_wait3A_117 = tpu.memref_slice %arg6[%dma_wait3A_115, %dma_wait3A_116] : memref<128x128xf32, #tpu.memory_space<vmem>> -> memref<64x128xf32, #tpu.memory_space<vmem>>
    %dma_wait3A_118 = arith.constant 0 : i32
    %dma_wait3A_119 = tpu.memref_slice %arg4[%mul3A_2, %dma_wait3A_118] : memref<819200x128xf32, #tpu.memory_space<hbm>> -> memref<64x128xf32, #tpu.memory_space<hbm>>
    %dma_wait3A_120 = arith.constant 0 : i32
    %dma_wait3A_121 = tpu.memref_slice %arg4[%mul3A_2, %dma_wait3A_120] : memref<819200x128xf32, #tpu.memory_space<hbm>> -> memref<64x128xf32, #tpu.memory_space<hbm>>
    %dma_wait3A_122 = arith.constant 0 : i32
    %dma_wait3A_123 = arith.constant 0 : i32
    %dma_wait3A_124 = tpu.memref_slice %arg6[%dma_wait3A_122, %dma_wait3A_123] : memref<128x128xf32, #tpu.memory_space<vmem>> -> memref<64x128xf32, #tpu.memory_space<vmem>>
    tpu.wait_dma2 semaphore(%arg16 : memref<!tpu.dma_semaphore, #tpu.memory_space<semaphore_mem>>) src(%dma_wait3A_124 : memref<64x128xf32, #tpu.memory_space<vmem>>) dst(%dma_wait3A_121 : memref<64x128xf32, #tpu.memory_space<hbm>>)
    %dma_wait3A_125 = arith.constant 64 : i32
    %dma_wait3A_126 = arith.constant 0 : i32
    %dma_wait3A_127 = tpu.memref_slice %arg6[%dma_wait3A_125, %dma_wait3A_126] : memref<128x128xf32, #tpu.memory_space<vmem>> -> memref<64x128xf32, #tpu.memory_space<vmem>>
    %dma_wait3A_128 = arith.constant 0 : i32
    %dma_wait3A_129 = tpu.memref_slice %arg4[%mul3A_2, %dma_wait3A_128] : memref<819200x128xf32, #tpu.memory_space<hbm>> -> memref<64x128xf32, #tpu.memory_space<hbm>>
    %dma_wait3A_130 = arith.constant 0 : i32
    %dma_wait3A_131 = tpu.memref_slice %arg4[%mul3A_2, %dma_wait3A_130] : memref<819200x128xf32, #tpu.memory_space<hbm>> -> memref<64x128xf32, #tpu.memory_space<hbm>>
    %dma_wait3A_132 = arith.constant 64 : i32
    %dma_wait3A_133 = arith.constant 0 : i32
    %dma_wait3A_134 = tpu.memref_slice %arg6[%dma_wait3A_132, %dma_wait3A_133] : memref<128x128xf32, #tpu.memory_space<vmem>> -> memref<64x128xf32, #tpu.memory_space<vmem>>
    tpu.wait_dma2 semaphore(%arg17 : memref<!tpu.dma_semaphore, #tpu.memory_space<semaphore_mem>>) src(%dma_wait3A_134 : memref<64x128xf32, #tpu.memory_space<vmem>>) dst(%dma_wait3A_131 : memref<64x128xf32, #tpu.memory_space<hbm>>)
    %dma_start3A_135 = arith.constant 3 : i32
    %dma_start3A_136 = arith.constant 0 : i32
    %dma_start3A_137 = arith.constant 0 : i32
    %dma_start3A_138 = tpu.memref_slice %arg6[%dma_start3A_136, %dma_start3A_137] : memref<128x128xf32, #tpu.memory_space<vmem>> -> memref<64x128xf32, #tpu.memory_space<vmem>>
    %dma_start3A_139 = arith.constant 0 : i32
    %dma_start3A_140 = tpu.memref_slice %arg5[%dma_start3A_135, %dma_start3A_139] : memref<200x128xi32, #tpu.memory_space<vmem>> -> memref<1x64xi32, #tpu.memory_space<vmem>>
    %dma_start3A_141 = tpu.memref_squeeze %dma_start3A_140 : memref<1x64xi32, #tpu.memory_space<vmem>> -> memref<64xi32, #tpu.memory_space<vmem>>
    %dma_start3A_142 = arith.constant 0 : i32
    %dma_start3A_143 = arith.constant 0 : i32
    %dma_start3A_144 = tpu.memref_slice %arg9[%dma_start3A_142, %dma_start3A_143] : memref<5000x128xf32, #tpu.memory_space<vmem_shared>> -> memref<5000x128xf32, #tpu.memory_space<vmem_shared>>
    tpu.enqueue_indirect_dma source(%dma_start3A_144 : memref<5000x128xf32, #tpu.memory_space<vmem_shared>>) target(%dma_start3A_138 : memref<64x128xf32, #tpu.memory_space<vmem>>) offsets(%dma_start3A_141 : memref<64xi32, #tpu.memory_space<vmem>>) semaphore(%arg10 : memref<!tpu.dma_semaphore, #tpu.memory_space<semaphore_mem>>)
    %dma_start3A_145 = arith.constant 3 : i32
    %dma_start3A_146 = arith.constant 64 : i32
    %dma_start3A_147 = arith.constant 0 : i32
    %dma_start3A_148 = tpu.memref_slice %arg6[%dma_start3A_146, %dma_start3A_147] : memref<128x128xf32, #tpu.memory_space<vmem>> -> memref<64x128xf32, #tpu.memory_space<vmem>>
    %dma_start3A_149 = arith.constant 64 : i32
    %dma_start3A_150 = tpu.memref_slice %arg5[%dma_start3A_145, %dma_start3A_149] : memref<200x128xi32, #tpu.memory_space<vmem>> -> memref<1x64xi32, #tpu.memory_space<vmem>>
    %dma_start3A_151 = tpu.memref_squeeze %dma_start3A_150 : memref<1x64xi32, #tpu.memory_space<vmem>> -> memref<64xi32, #tpu.memory_space<vmem>>
    %dma_start3A_152 = arith.constant 0 : i32
    %dma_start3A_153 = arith.constant 0 : i32
    %dma_start3A_154 = tpu.memref_slice %arg9[%dma_start3A_152, %dma_start3A_153] : memref<5000x128xf32, #tpu.memory_space<vmem_shared>> -> memref<5000x128xf32, #tpu.memory_space<vmem_shared>>
    tpu.enqueue_indirect_dma source(%dma_start3A_154 : memref<5000x128xf32, #tpu.memory_space<vmem_shared>>) target(%dma_start3A_148 : memref<64x128xf32, #tpu.memory_space<vmem>>) offsets(%dma_start3A_151 : memref<64xi32, #tpu.memory_space<vmem>>) semaphore(%arg11 : memref<!tpu.dma_semaphore, #tpu.memory_space<semaphore_mem>>)
    %dma_wait3A_155 = arith.constant 0 : i32
    %dma_wait3A_156 = arith.constant 0 : i32
    %dma_wait3A_157 = arith.constant 0 : i32
    %dma_wait3A_158 = tpu.memref_slice %arg7[%dma_wait3A_156, %dma_wait3A_157] : memref<128x128xf32, #tpu.memory_space<vmem>> -> memref<64x128xf32, #tpu.memory_space<vmem>>
    %dma_wait3A_159 = arith.constant 0 : i32
    %dma_wait3A_160 = tpu.memref_slice %arg5[%dma_wait3A_155, %dma_wait3A_159] : memref<200x128xi32, #tpu.memory_space<vmem>> -> memref<1x64xi32, #tpu.memory_space<vmem>>
    %dma_wait3A_161 = tpu.memref_squeeze %dma_wait3A_160 : memref<1x64xi32, #tpu.memory_space<vmem>> -> memref<64xi32, #tpu.memory_space<vmem>>
    %dma_wait3A_162 = arith.constant 0 : i32
    %dma_wait3A_163 = arith.constant 0 : i32
    %dma_wait3A_164 = tpu.memref_slice %arg9[%dma_wait3A_162, %dma_wait3A_163] : memref<5000x128xf32, #tpu.memory_space<vmem_shared>> -> memref<5000x128xf32, #tpu.memory_space<vmem_shared>>
    tpu.wait_indirect_dma semaphore(%arg12 : memref<!tpu.dma_semaphore, #tpu.memory_space<semaphore_mem>>) src(%dma_wait3A_164 : memref<5000x128xf32, #tpu.memory_space<vmem_shared>>) dst(%dma_wait3A_158 : memref<64x128xf32, #tpu.memory_space<vmem>>)
    %add3A_165 = arith.constant 128 : i32
    %add3A_166 = arith.addi %mul3A_2, %add3A_165 : i32
    %add3A_167 = arith.constant 0 : i32
    %add3A_168 = arith.addi %add3A_166, %add3A_167 : i32
    %dma_start3A_169 = arith.constant 0 : i32
    %dma_start3A_170 = arith.constant 0 : i32
    %dma_start3A_171 = tpu.memref_slice %arg7[%dma_start3A_169, %dma_start3A_170] : memref<128x128xf32, #tpu.memory_space<vmem>> -> memref<64x128xf32, #tpu.memory_space<vmem>>
    %dma_start3A_172 = arith.constant 0 : i32
    %dma_start3A_173 = tpu.memref_slice %arg4[%add3A_168, %dma_start3A_172] : memref<819200x128xf32, #tpu.memory_space<hbm>> -> memref<64x128xf32, #tpu.memory_space<hbm>>
    %dma_start3A_174 = arith.constant 0 : i32
    %dma_start3A_175 = tpu.memref_slice %arg4[%add3A_168, %dma_start3A_174] : memref<819200x128xf32, #tpu.memory_space<hbm>> -> memref<64x128xf32, #tpu.memory_space<hbm>>
    %dma_start3A_176 = arith.constant 0 : i32
    %dma_start3A_177 = arith.constant 0 : i32
    %dma_start3A_178 = tpu.memref_slice %arg7[%dma_start3A_176, %dma_start3A_177] : memref<128x128xf32, #tpu.memory_space<vmem>> -> memref<64x128xf32, #tpu.memory_space<vmem>>
    tpu.enqueue_dma source(%dma_start3A_178 : memref<64x128xf32, #tpu.memory_space<vmem>>) target(%dma_start3A_175 : memref<64x128xf32, #tpu.memory_space<hbm>>) target_semaphore(%arg18 : memref<!tpu.dma_semaphore, #tpu.memory_space<semaphore_mem>>)
    %dma_wait3A_179 = arith.constant 0 : i32
    %dma_wait3A_180 = arith.constant 64 : i32
    %dma_wait3A_181 = arith.constant 0 : i32
    %dma_wait3A_182 = tpu.memref_slice %arg7[%dma_wait3A_180, %dma_wait3A_181] : memref<128x128xf32, #tpu.memory_space<vmem>> -> memref<64x128xf32, #tpu.memory_space<vmem>>
    %dma_wait3A_183 = arith.constant 0 : i32
    %dma_wait3A_184 = tpu.memref_slice %arg5[%dma_wait3A_179, %dma_wait3A_183] : memref<200x128xi32, #tpu.memory_space<vmem>> -> memref<1x64xi32, #tpu.memory_space<vmem>>
    %dma_wait3A_185 = tpu.memref_squeeze %dma_wait3A_184 : memref<1x64xi32, #tpu.memory_space<vmem>> -> memref<64xi32, #tpu.memory_space<vmem>>
    %dma_wait3A_186 = arith.constant 0 : i32
    %dma_wait3A_187 = arith.constant 0 : i32
    %dma_wait3A_188 = tpu.memref_slice %arg9[%dma_wait3A_186, %dma_wait3A_187] : memref<5000x128xf32, #tpu.memory_space<vmem_shared>> -> memref<5000x128xf32, #tpu.memory_space<vmem_shared>>
    tpu.wait_indirect_dma semaphore(%arg13 : memref<!tpu.dma_semaphore, #tpu.memory_space<semaphore_mem>>) src(%dma_wait3A_188 : memref<5000x128xf32, #tpu.memory_space<vmem_shared>>) dst(%dma_wait3A_182 : memref<64x128xf32, #tpu.memory_space<vmem>>)
    %add3A_189 = arith.constant 128 : i32
    %add3A_190 = arith.addi %mul3A_2, %add3A_189 : i32
    %add3A_191 = arith.constant 64 : i32
    %add3A_192 = arith.addi %add3A_190, %add3A_191 : i32
    %dma_start3A_193 = arith.constant 64 : i32
    %dma_start3A_194 = arith.constant 0 : i32
    %dma_start3A_195 = tpu.memref_slice %arg7[%dma_start3A_193, %dma_start3A_194] : memref<128x128xf32, #tpu.memory_space<vmem>> -> memref<64x128xf32, #tpu.memory_space<vmem>>
    %dma_start3A_196 = arith.constant 0 : i32
    %dma_start3A_197 = tpu.memref_slice %arg4[%add3A_192, %dma_start3A_196] : memref<819200x128xf32, #tpu.memory_space<hbm>> -> memref<64x128xf32, #tpu.memory_space<hbm>>
    %dma_start3A_198 = arith.constant 0 : i32
    %dma_start3A_199 = tpu.memref_slice %arg4[%add3A_192, %dma_start3A_198] : memref<819200x128xf32, #tpu.memory_space<hbm>> -> memref<64x128xf32, #tpu.memory_space<hbm>>
    %dma_start3A_200 = arith.constant 64 : i32
    %dma_start3A_201 = arith.constant 0 : i32
    %dma_start3A_202 = tpu.memref_slice %arg7[%dma_start3A_200, %dma_start3A_201] : memref<128x128xf32, #tpu.memory_space<vmem>> -> memref<64x128xf32, #tpu.memory_space<vmem>>
    tpu.enqueue_dma source(%dma_start3A_202 : memref<64x128xf32, #tpu.memory_space<vmem>>) target(%dma_start3A_199 : memref<64x128xf32, #tpu.memory_space<hbm>>) target_semaphore(%arg19 : memref<!tpu.dma_semaphore, #tpu.memory_space<semaphore_mem>>)
    %dma_wait3A_203 = arith.constant 0 : i32
    %dma_wait3A_204 = arith.constant 0 : i32
    %dma_wait3A_205 = tpu.memref_slice %arg7[%dma_wait3A_203, %dma_wait3A_204] : memref<128x128xf32, #tpu.memory_space<vmem>> -> memref<64x128xf32, #tpu.memory_space<vmem>>
    %dma_wait3A_206 = arith.constant 0 : i32
    %dma_wait3A_207 = tpu.memref_slice %arg4[%mul3A_2, %dma_wait3A_206] : memref<819200x128xf32, #tpu.memory_space<hbm>> -> memref<64x128xf32, #tpu.memory_space<hbm>>
    %dma_wait3A_208 = arith.constant 0 : i32
    %dma_wait3A_209 = tpu.memref_slice %arg4[%mul3A_2, %dma_wait3A_208] : memref<819200x128xf32, #tpu.memory_space<hbm>> -> memref<64x128xf32, #tpu.memory_space<hbm>>
    %dma_wait3A_210 = arith.constant 0 : i32
    %dma_wait3A_211 = arith.constant 0 : i32
    %dma_wait3A_212 = tpu.memref_slice %arg7[%dma_wait3A_210, %dma_wait3A_211] : memref<128x128xf32, #tpu.memory_space<vmem>> -> memref<64x128xf32, #tpu.memory_space<vmem>>
    tpu.wait_dma2 semaphore(%arg18 : memref<!tpu.dma_semaphore, #tpu.memory_space<semaphore_mem>>) src(%dma_wait3A_212 : memref<64x128xf32, #tpu.memory_space<vmem>>) dst(%dma_wait3A_209 : memref<64x128xf32, #tpu.memory_space<hbm>>)
    %dma_wait3A_213 = arith.constant 64 : i32
    %dma_wait3A_214 = arith.constant 0 : i32
    %dma_wait3A_215 = tpu.memref_slice %arg7[%dma_wait3A_213, %dma_wait3A_214] : memref<128x128xf32, #tpu.memory_space<vmem>> -> memref<64x128xf32, #tpu.memory_space<vmem>>
    %dma_wait3A_216 = arith.constant 0 : i32
    %dma_wait3A_217 = tpu.memref_slice %arg4[%mul3A_2, %dma_wait3A_216] : memref<819200x128xf32, #tpu.memory_space<hbm>> -> memref<64x128xf32, #tpu.memory_space<hbm>>
    %dma_wait3A_218 = arith.constant 0 : i32
    %dma_wait3A_219 = tpu.memref_slice %arg4[%mul3A_2, %dma_wait3A_218] : memref<819200x128xf32, #tpu.memory_space<hbm>> -> memref<64x128xf32, #tpu.memory_space<hbm>>
    %dma_wait3A_220 = arith.constant 64 : i32
    %dma_wait3A_221 = arith.constant 0 : i32
    %dma_wait3A_222 = tpu.memref_slice %arg7[%dma_wait3A_220, %dma_wait3A_221] : memref<128x128xf32, #tpu.memory_space<vmem>> -> memref<64x128xf32, #tpu.memory_space<vmem>>
    tpu.wait_dma2 semaphore(%arg19 : memref<!tpu.dma_semaphore, #tpu.memory_space<semaphore_mem>>) src(%dma_wait3A_222 : memref<64x128xf32, #tpu.memory_space<vmem>>) dst(%dma_wait3A_219 : memref<64x128xf32, #tpu.memory_space<hbm>>)
    %dma_start3A_223 = arith.constant 4 : i32
    %dma_start3A_224 = arith.constant 0 : i32
    %dma_start3A_225 = arith.constant 0 : i32
    %dma_start3A_226 = tpu.memref_slice %arg7[%dma_start3A_224, %dma_start3A_225] : memref<128x128xf32, #tpu.memory_space<vmem>> -> memref<64x128xf32, #tpu.memory_space<vmem>>
    %dma_start3A_227 = arith.constant 0 : i32
    %dma_start3A_228 = tpu.memref_slice %arg5[%dma_start3A_223, %dma_start3A_227] : memref<200x128xi32, #tpu.memory_space<vmem>> -> memref<1x64xi32, #tpu.memory_space<vmem>>
    %dma_start3A_229 = tpu.memref_squeeze %dma_start3A_228 : memref<1x64xi32, #tpu.memory_space<vmem>> -> memref<64xi32, #tpu.memory_space<vmem>>
    %dma_start3A_230 = arith.constant 0 : i32
    %dma_start3A_231 = arith.constant 0 : i32
    %dma_start3A_232 = tpu.memref_slice %arg9[%dma_start3A_230, %dma_start3A_231] : memref<5000x128xf32, #tpu.memory_space<vmem_shared>> -> memref<5000x128xf32, #tpu.memory_space<vmem_shared>>
    tpu.enqueue_indirect_dma source(%dma_start3A_232 : memref<5000x128xf32, #tpu.memory_space<vmem_shared>>) target(%dma_start3A_226 : memref<64x128xf32, #tpu.memory_space<vmem>>) offsets(%dma_start3A_229 : memref<64xi32, #tpu.memory_space<vmem>>) semaphore(%arg12 : memref<!tpu.dma_semaphore, #tpu.memory_space<semaphore_mem>>)
    %dma_start3A_233 = arith.constant 4 : i32
    %dma_start3A_234 = arith.constant 64 : i32
    %dma_start3A_235 = arith.constant 0 : i32
    %dma_start3A_236 = tpu.memref_slice %arg7[%dma_start3A_234, %dma_start3A_235] : memref<128x128xf32, #tpu.memory_space<vmem>> -> memref<64x128xf32, #tpu.memory_space<vmem>>
    %dma_start3A_237 = arith.constant 64 : i32
    %dma_start3A_238 = tpu.memref_slice %arg5[%dma_start3A_233, %dma_start3A_237] : memref<200x128xi32, #tpu.memory_space<vmem>> -> memref<1x64xi32, #tpu.memory_space<vmem>>
    %dma_start3A_239 = tpu.memref_squeeze %dma_start3A_238 : memref<1x64xi32, #tpu.memory_space<vmem>> -> memref<64xi32, #tpu.memory_space<vmem>>
    %dma_start3A_240 = arith.constant 0 : i32
    %dma_start3A_241 = arith.constant 0 : i32
    %dma_start3A_242 = tpu.memref_slice %arg9[%dma_start3A_240, %dma_start3A_241] : memref<5000x128xf32, #tpu.memory_space<vmem_shared>> -> memref<5000x128xf32, #tpu.memory_space<vmem_shared>>
    tpu.enqueue_indirect_dma source(%dma_start3A_242 : memref<5000x128xf32, #tpu.memory_space<vmem_shared>>) target(%dma_start3A_236 : memref<64x128xf32, #tpu.memory_space<vmem>>) offsets(%dma_start3A_239 : memref<64xi32, #tpu.memory_space<vmem>>) semaphore(%arg13 : memref<!tpu.dma_semaphore, #tpu.memory_space<semaphore_mem>>)
    %dma_wait3A_243 = arith.constant 0 : i32
    %dma_wait3A_244 = arith.constant 0 : i32
    %dma_wait3A_245 = arith.constant 0 : i32
    %dma_wait3A_246 = tpu.memref_slice %arg8[%dma_wait3A_244, %dma_wait3A_245] : memref<128x128xf32, #tpu.memory_space<vmem>> -> memref<64x128xf32, #tpu.memory_space<vmem>>
    %dma_wait3A_247 = arith.constant 0 : i32
    %dma_wait3A_248 = tpu.memref_slice %arg5[%dma_wait3A_243, %dma_wait3A_247] : memref<200x128xi32, #tpu.memory_space<vmem>> -> memref<1x64xi32, #tpu.memory_space<vmem>>
    %dma_wait3A_249 = tpu.memref_squeeze %dma_wait3A_248 : memref<1x64xi32, #tpu.memory_space<vmem>> -> memref<64xi32, #tpu.memory_space<vmem>>
    %dma_wait3A_250 = arith.constant 0 : i32
    %dma_wait3A_251 = arith.constant 0 : i32
    %dma_wait3A_252 = tpu.memref_slice %arg9[%dma_wait3A_250, %dma_wait3A_251] : memref<5000x128xf32, #tpu.memory_space<vmem_shared>> -> memref<5000x128xf32, #tpu.memory_space<vmem_shared>>
    tpu.wait_indirect_dma semaphore(%arg14 : memref<!tpu.dma_semaphore, #tpu.memory_space<semaphore_mem>>) src(%dma_wait3A_252 : memref<5000x128xf32, #tpu.memory_space<vmem_shared>>) dst(%dma_wait3A_246 : memref<64x128xf32, #tpu.memory_space<vmem>>)
    %add3A_253 = arith.constant 256 : i32
    %add3A_254 = arith.addi %mul3A_2, %add3A_253 : i32
    %add3A_255 = arith.constant 0 : i32
    %add3A_256 = arith.addi %add3A_254, %add3A_255 : i32
    %dma_start3A_257 = arith.constant 0 : i32
    %dma_start3A_258 = arith.constant 0 : i32
    %dma_start3A_259 = tpu.memref_slice %arg8[%dma_start3A_257, %dma_start3A_258] : memref<128x128xf32, #tpu.memory_space<vmem>> -> memref<64x128xf32, #tpu.memory_space<vmem>>
    %dma_start3A_260 = arith.constant 0 : i32
    %dma_start3A_261 = tpu.memref_slice %arg4[%add3A_256, %dma_start3A_260] : memref<819200x128xf32, #tpu.memory_space<hbm>> -> memref<64x128xf32, #tpu.memory_space<hbm>>
    %dma_start3A_262 = arith.constant 0 : i32
    %dma_start3A_263 = tpu.memref_slice %arg4[%add3A_256, %dma_start3A_262] : memref<819200x128xf32, #tpu.memory_space<hbm>> -> memref<64x128xf32, #tpu.memory_space<hbm>>
    %dma_start3A_264 = arith.constant 0 : i32
    %dma_start3A_265 = arith.constant 0 : i32
    %dma_start3A_266 = tpu.memref_slice %arg8[%dma_start3A_264, %dma_start3A_265] : memref<128x128xf32, #tpu.memory_space<vmem>> -> memref<64x128xf32, #tpu.memory_space<vmem>>
    tpu.enqueue_dma source(%dma_start3A_266 : memref<64x128xf32, #tpu.memory_space<vmem>>) target(%dma_start3A_263 : memref<64x128xf32, #tpu.memory_space<hbm>>) target_semaphore(%arg20 : memref<!tpu.dma_semaphore, #tpu.memory_space<semaphore_mem>>)
    %dma_wait3A_267 = arith.constant 0 : i32
    %dma_wait3A_268 = arith.constant 64 : i32
    %dma_wait3A_269 = arith.constant 0 : i32
    %dma_wait3A_270 = tpu.memref_slice %arg8[%dma_wait3A_268, %dma_wait3A_269] : memref<128x128xf32, #tpu.memory_space<vmem>> -> memref<64x128xf32, #tpu.memory_space<vmem>>
    %dma_wait3A_271 = arith.constant 0 : i32
    %dma_wait3A_272 = tpu.memref_slice %arg5[%dma_wait3A_267, %dma_wait3A_271] : memref<200x128xi32, #tpu.memory_space<vmem>> -> memref<1x64xi32, #tpu.memory_space<vmem>>
    %dma_wait3A_273 = tpu.memref_squeeze %dma_wait3A_272 : memref<1x64xi32, #tpu.memory_space<vmem>> -> memref<64xi32, #tpu.memory_space<vmem>>
    %dma_wait3A_274 = arith.constant 0 : i32
    %dma_wait3A_275 = arith.constant 0 : i32
    %dma_wait3A_276 = tpu.memref_slice %arg9[%dma_wait3A_274, %dma_wait3A_275] : memref<5000x128xf32, #tpu.memory_space<vmem_shared>> -> memref<5000x128xf32, #tpu.memory_space<vmem_shared>>
    tpu.wait_indirect_dma semaphore(%arg15 : memref<!tpu.dma_semaphore, #tpu.memory_space<semaphore_mem>>) src(%dma_wait3A_276 : memref<5000x128xf32, #tpu.memory_space<vmem_shared>>) dst(%dma_wait3A_270 : memref<64x128xf32, #tpu.memory_space<vmem>>)
    %add3A_277 = arith.constant 256 : i32
    %add3A_278 = arith.addi %mul3A_2, %add3A_277 : i32
    %add3A_279 = arith.constant 64 : i32
    %add3A_280 = arith.addi %add3A_278, %add3A_279 : i32
    %dma_start3A_281 = arith.constant 64 : i32
    %dma_start3A_282 = arith.constant 0 : i32
    %dma_start3A_283 = tpu.memref_slice %arg8[%dma_start3A_281, %dma_start3A_282] : memref<128x128xf32, #tpu.memory_space<vmem>> -> memref<64x128xf32, #tpu.memory_space<vmem>>
    %dma_start3A_284 = arith.constant 0 : i32
    %dma_start3A_285 = tpu.memref_slice %arg4[%add3A_280, %dma_start3A_284] : memref<819200x128xf32, #tpu.memory_space<hbm>> -> memref<64x128xf32, #tpu.memory_space<hbm>>
    %dma_start3A_286 = arith.constant 0 : i32
    %dma_start3A_287 = tpu.memref_slice %arg4[%add3A_280, %dma_start3A_286] : memref<819200x128xf32, #tpu.memory_space<hbm>> -> memref<64x128xf32, #tpu.memory_space<hbm>>
    %dma_start3A_288 = arith.constant 64 : i32
    %dma_start3A_289 = arith.constant 0 : i32
    %dma_start3A_290 = tpu.memref_slice %arg8[%dma_start3A_288, %dma_start3A_289] : memref<128x128xf32, #tpu.memory_space<vmem>> -> memref<64x128xf32, #tpu.memory_space<vmem>>
    tpu.enqueue_dma source(%dma_start3A_290 : memref<64x128xf32, #tpu.memory_space<vmem>>) target(%dma_start3A_287 : memref<64x128xf32, #tpu.memory_space<hbm>>) target_semaphore(%arg21 : memref<!tpu.dma_semaphore, #tpu.memory_space<semaphore_mem>>)
    %scan3A = arith.constant 1 : i32
    %scan3A_291 = arith.constant 65 : i32
    %scan3A_292 = arith.addi %scan3A, %scan3A_291 : i32
    %scan3A_293 = arith.constant 1 : i32
    scf.for %scan3A_451 = %scan3A to %scan3A_292 step %scan3A_293  : i32 {
      %mul3A_452 = arith.constant 3 : i32
      %mul3A_453 = arith.muli %mul3A_452, %scan3A_451 : i32
      %add3A_454 = arith.constant 0 : i32
      %add3A_455 = arith.addi %mul3A_453, %add3A_454 : i32
      %dma_wait3A_456 = arith.constant 0 : i32
      %dma_wait3A_457 = arith.constant 0 : i32
      %dma_wait3A_458 = arith.constant 0 : i32
      %dma_wait3A_459 = tpu.memref_slice %arg6[%dma_wait3A_457, %dma_wait3A_458] : memref<128x128xf32, #tpu.memory_space<vmem>> -> memref<64x128xf32, #tpu.memory_space<vmem>>
      %dma_wait3A_460 = arith.constant 0 : i32
      %dma_wait3A_461 = tpu.memref_slice %arg5[%dma_wait3A_456, %dma_wait3A_460] : memref<200x128xi32, #tpu.memory_space<vmem>> -> memref<1x64xi32, #tpu.memory_space<vmem>>
      %dma_wait3A_462 = tpu.memref_squeeze %dma_wait3A_461 : memref<1x64xi32, #tpu.memory_space<vmem>> -> memref<64xi32, #tpu.memory_space<vmem>>
      %dma_wait3A_463 = arith.constant 0 : i32
      %dma_wait3A_464 = arith.constant 0 : i32
      %dma_wait3A_465 = tpu.memref_slice %arg9[%dma_wait3A_463, %dma_wait3A_464] : memref<5000x128xf32, #tpu.memory_space<vmem_shared>> -> memref<5000x128xf32, #tpu.memory_space<vmem_shared>>
      tpu.wait_indirect_dma semaphore(%arg10 : memref<!tpu.dma_semaphore, #tpu.memory_space<semaphore_mem>>) src(%dma_wait3A_465 : memref<5000x128xf32, #tpu.memory_space<vmem_shared>>) dst(%dma_wait3A_459 : memref<64x128xf32, #tpu.memory_space<vmem>>)
      %mul3A_466 = arith.constant 128 : i32
      %mul3A_467 = arith.muli %add3A_455, %mul3A_466 : i32
      %add3A_468 = arith.addi %mul3A_2, %mul3A_467 : i32
      %add3A_469 = arith.constant 0 : i32
      %add3A_470 = arith.addi %add3A_468, %add3A_469 : i32
      %dma_start3A_471 = arith.constant 0 : i32
      %dma_start3A_472 = arith.constant 0 : i32
      %dma_start3A_473 = tpu.memref_slice %arg6[%dma_start3A_471, %dma_start3A_472] : memref<128x128xf32, #tpu.memory_space<vmem>> -> memref<64x128xf32, #tpu.memory_space<vmem>>
      %dma_start3A_474 = arith.constant 0 : i32
      %dma_start3A_475 = tpu.memref_slice %arg4[%add3A_470, %dma_start3A_474] : memref<819200x128xf32, #tpu.memory_space<hbm>> -> memref<64x128xf32, #tpu.memory_space<hbm>>
      %dma_start3A_476 = arith.constant 0 : i32
      %dma_start3A_477 = tpu.memref_slice %arg4[%add3A_470, %dma_start3A_476] : memref<819200x128xf32, #tpu.memory_space<hbm>> -> memref<64x128xf32, #tpu.memory_space<hbm>>
      %dma_start3A_478 = arith.constant 0 : i32
      %dma_start3A_479 = arith.constant 0 : i32
      %dma_start3A_480 = tpu.memref_slice %arg6[%dma_start3A_478, %dma_start3A_479] : memref<128x128xf32, #tpu.memory_space<vmem>> -> memref<64x128xf32, #tpu.memory_space<vmem>>
      tpu.enqueue_dma source(%dma_start3A_480 : memref<64x128xf32, #tpu.memory_space<vmem>>) target(%dma_start3A_477 : memref<64x128xf32, #tpu.memory_space<hbm>>) target_semaphore(%arg16 : memref<!tpu.dma_semaphore, #tpu.memory_space<semaphore_mem>>)
      %dma_wait3A_481 = arith.constant 0 : i32
      %dma_wait3A_482 = arith.constant 64 : i32
      %dma_wait3A_483 = arith.constant 0 : i32
      %dma_wait3A_484 = tpu.memref_slice %arg6[%dma_wait3A_482, %dma_wait3A_483] : memref<128x128xf32, #tpu.memory_space<vmem>> -> memref<64x128xf32, #tpu.memory_space<vmem>>
      %dma_wait3A_485 = arith.constant 0 : i32
      %dma_wait3A_486 = tpu.memref_slice %arg5[%dma_wait3A_481, %dma_wait3A_485] : memref<200x128xi32, #tpu.memory_space<vmem>> -> memref<1x64xi32, #tpu.memory_space<vmem>>
      %dma_wait3A_487 = tpu.memref_squeeze %dma_wait3A_486 : memref<1x64xi32, #tpu.memory_space<vmem>> -> memref<64xi32, #tpu.memory_space<vmem>>
      %dma_wait3A_488 = arith.constant 0 : i32
      %dma_wait3A_489 = arith.constant 0 : i32
      %dma_wait3A_490 = tpu.memref_slice %arg9[%dma_wait3A_488, %dma_wait3A_489] : memref<5000x128xf32, #tpu.memory_space<vmem_shared>> -> memref<5000x128xf32, #tpu.memory_space<vmem_shared>>
      tpu.wait_indirect_dma semaphore(%arg11 : memref<!tpu.dma_semaphore, #tpu.memory_space<semaphore_mem>>) src(%dma_wait3A_490 : memref<5000x128xf32, #tpu.memory_space<vmem_shared>>) dst(%dma_wait3A_484 : memref<64x128xf32, #tpu.memory_space<vmem>>)
      %mul3A_491 = arith.constant 128 : i32
      %mul3A_492 = arith.muli %add3A_455, %mul3A_491 : i32
      %add3A_493 = arith.addi %mul3A_2, %mul3A_492 : i32
      %add3A_494 = arith.constant 64 : i32
      %add3A_495 = arith.addi %add3A_493, %add3A_494 : i32
      %dma_start3A_496 = arith.constant 64 : i32
      %dma_start3A_497 = arith.constant 0 : i32
      %dma_start3A_498 = tpu.memref_slice %arg6[%dma_start3A_496, %dma_start3A_497] : memref<128x128xf32, #tpu.memory_space<vmem>> -> memref<64x128xf32, #tpu.memory_space<vmem>>
      %dma_start3A_499 = arith.constant 0 : i32
      %dma_start3A_500 = tpu.memref_slice %arg4[%add3A_495, %dma_start3A_499] : memref<819200x128xf32, #tpu.memory_space<hbm>> -> memref<64x128xf32, #tpu.memory_space<hbm>>
      %dma_start3A_501 = arith.constant 0 : i32
      %dma_start3A_502 = tpu.memref_slice %arg4[%add3A_495, %dma_start3A_501] : memref<819200x128xf32, #tpu.memory_space<hbm>> -> memref<64x128xf32, #tpu.memory_space<hbm>>
      %dma_start3A_503 = arith.constant 64 : i32
      %dma_start3A_504 = arith.constant 0 : i32
      %dma_start3A_505 = tpu.memref_slice %arg6[%dma_start3A_503, %dma_start3A_504] : memref<128x128xf32, #tpu.memory_space<vmem>> -> memref<64x128xf32, #tpu.memory_space<vmem>>
      tpu.enqueue_dma source(%dma_start3A_505 : memref<64x128xf32, #tpu.memory_space<vmem>>) target(%dma_start3A_502 : memref<64x128xf32, #tpu.memory_space<hbm>>) target_semaphore(%arg17 : memref<!tpu.dma_semaphore, #tpu.memory_space<semaphore_mem>>)
      %dma_wait3A_506 = arith.constant 0 : i32
      %dma_wait3A_507 = arith.constant 0 : i32
      %dma_wait3A_508 = tpu.memref_slice %arg8[%dma_wait3A_506, %dma_wait3A_507] : memref<128x128xf32, #tpu.memory_space<vmem>> -> memref<64x128xf32, #tpu.memory_space<vmem>>
      %dma_wait3A_509 = arith.constant 0 : i32
      %dma_wait3A_510 = tpu.memref_slice %arg4[%mul3A_2, %dma_wait3A_509] : memref<819200x128xf32, #tpu.memory_space<hbm>> -> memref<64x128xf32, #tpu.memory_space<hbm>>
      %dma_wait3A_511 = arith.constant 0 : i32
      %dma_wait3A_512 = tpu.memref_slice %arg4[%mul3A_2, %dma_wait3A_511] : memref<819200x128xf32, #tpu.memory_space<hbm>> -> memref<64x128xf32, #tpu.memory_space<hbm>>
      %dma_wait3A_513 = arith.constant 0 : i32
      %dma_wait3A_514 = arith.constant 0 : i32
      %dma_wait3A_515 = tpu.memref_slice %arg8[%dma_wait3A_513, %dma_wait3A_514] : memref<128x128xf32, #tpu.memory_space<vmem>> -> memref<64x128xf32, #tpu.memory_space<vmem>>
      tpu.wait_dma2 semaphore(%arg20 : memref<!tpu.dma_semaphore, #tpu.memory_space<semaphore_mem>>) src(%dma_wait3A_515 : memref<64x128xf32, #tpu.memory_space<vmem>>) dst(%dma_wait3A_512 : memref<64x128xf32, #tpu.memory_space<hbm>>)
      %dma_wait3A_516 = arith.constant 64 : i32
      %dma_wait3A_517 = arith.constant 0 : i32
      %dma_wait3A_518 = tpu.memref_slice %arg8[%dma_wait3A_516, %dma_wait3A_517] : memref<128x128xf32, #tpu.memory_space<vmem>> -> memref<64x128xf32, #tpu.memory_space<vmem>>
      %dma_wait3A_519 = arith.constant 0 : i32
      %dma_wait3A_520 = tpu.memref_slice %arg4[%mul3A_2, %dma_wait3A_519] : memref<819200x128xf32, #tpu.memory_space<hbm>> -> memref<64x128xf32, #tpu.memory_space<hbm>>
      %dma_wait3A_521 = arith.constant 0 : i32
      %dma_wait3A_522 = tpu.memref_slice %arg4[%mul3A_2, %dma_wait3A_521] : memref<819200x128xf32, #tpu.memory_space<hbm>> -> memref<64x128xf32, #tpu.memory_space<hbm>>
      %dma_wait3A_523 = arith.constant 64 : i32
      %dma_wait3A_524 = arith.constant 0 : i32
      %dma_wait3A_525 = tpu.memref_slice %arg8[%dma_wait3A_523, %dma_wait3A_524] : memref<128x128xf32, #tpu.memory_space<vmem>> -> memref<64x128xf32, #tpu.memory_space<vmem>>
      tpu.wait_dma2 semaphore(%arg21 : memref<!tpu.dma_semaphore, #tpu.memory_space<semaphore_mem>>) src(%dma_wait3A_525 : memref<64x128xf32, #tpu.memory_space<vmem>>) dst(%dma_wait3A_522 : memref<64x128xf32, #tpu.memory_space<hbm>>)
      %add3A_526 = arith.constant 2 : i32
      %add3A_527 = arith.addi %add3A_455, %add3A_526 : i32
      %dma_start3A_528 = arith.constant 0 : i32
      %dma_start3A_529 = arith.constant 0 : i32
      %dma_start3A_530 = tpu.memref_slice %arg8[%dma_start3A_528, %dma_start3A_529] : memref<128x128xf32, #tpu.memory_space<vmem>> -> memref<64x128xf32, #tpu.memory_space<vmem>>
      %dma_start3A_531 = arith.constant 0 : i32
      %dma_start3A_532 = tpu.memref_slice %arg5[%add3A_527, %dma_start3A_531] : memref<200x128xi32, #tpu.memory_space<vmem>> -> memref<1x64xi32, #tpu.memory_space<vmem>>
      %dma_start3A_533 = tpu.memref_squeeze %dma_start3A_532 : memref<1x64xi32, #tpu.memory_space<vmem>> -> memref<64xi32, #tpu.memory_space<vmem>>
      %dma_start3A_534 = arith.constant 0 : i32
      %dma_start3A_535 = arith.constant 0 : i32
      %dma_start3A_536 = tpu.memref_slice %arg9[%dma_start3A_534, %dma_start3A_535] : memref<5000x128xf32, #tpu.memory_space<vmem_shared>> -> memref<5000x128xf32, #tpu.memory_space<vmem_shared>>
      tpu.enqueue_indirect_dma source(%dma_start3A_536 : memref<5000x128xf32, #tpu.memory_space<vmem_shared>>) target(%dma_start3A_530 : memref<64x128xf32, #tpu.memory_space<vmem>>) offsets(%dma_start3A_533 : memref<64xi32, #tpu.memory_space<vmem>>) semaphore(%arg14 : memref<!tpu.dma_semaphore, #tpu.memory_space<semaphore_mem>>)
      %dma_start3A_537 = arith.constant 64 : i32
      %dma_start3A_538 = arith.constant 0 : i32
      %dma_start3A_539 = tpu.memref_slice %arg8[%dma_start3A_537, %dma_start3A_538] : memref<128x128xf32, #tpu.memory_space<vmem>> -> memref<64x128xf32, #tpu.memory_space<vmem>>
      %dma_start3A_540 = arith.constant 64 : i32
      %dma_start3A_541 = tpu.memref_slice %arg5[%add3A_527, %dma_start3A_540] : memref<200x128xi32, #tpu.memory_space<vmem>> -> memref<1x64xi32, #tpu.memory_space<vmem>>
      %dma_start3A_542 = tpu.memref_squeeze %dma_start3A_541 : memref<1x64xi32, #tpu.memory_space<vmem>> -> memref<64xi32, #tpu.memory_space<vmem>>
      %dma_start3A_543 = arith.constant 0 : i32
      %dma_start3A_544 = arith.constant 0 : i32
      %dma_start3A_545 = tpu.memref_slice %arg9[%dma_start3A_543, %dma_start3A_544] : memref<5000x128xf32, #tpu.memory_space<vmem_shared>> -> memref<5000x128xf32, #tpu.memory_space<vmem_shared>>
      tpu.enqueue_indirect_dma source(%dma_start3A_545 : memref<5000x128xf32, #tpu.memory_space<vmem_shared>>) target(%dma_start3A_539 : memref<64x128xf32, #tpu.memory_space<vmem>>) offsets(%dma_start3A_542 : memref<64xi32, #tpu.memory_space<vmem>>) semaphore(%arg15 : memref<!tpu.dma_semaphore, #tpu.memory_space<semaphore_mem>>)
      %mul3A_546 = arith.constant 3 : i32
      %mul3A_547 = arith.muli %mul3A_546, %scan3A_451 : i32
      %add3A_548 = arith.constant 1 : i32
      %add3A_549 = arith.addi %mul3A_547, %add3A_548 : i32
      %dma_wait3A_550 = arith.constant 0 : i32
      %dma_wait3A_551 = arith.constant 0 : i32
      %dma_wait3A_552 = arith.constant 0 : i32
      %dma_wait3A_553 = tpu.memref_slice %arg7[%dma_wait3A_551, %dma_wait3A_552] : memref<128x128xf32, #tpu.memory_space<vmem>> -> memref<64x128xf32, #tpu.memory_space<vmem>>
      %dma_wait3A_554 = arith.constant 0 : i32
      %dma_wait3A_555 = tpu.memref_slice %arg5[%dma_wait3A_550, %dma_wait3A_554] : memref<200x128xi32, #tpu.memory_space<vmem>> -> memref<1x64xi32, #tpu.memory_space<vmem>>
      %dma_wait3A_556 = tpu.memref_squeeze %dma_wait3A_555 : memref<1x64xi32, #tpu.memory_space<vmem>> -> memref<64xi32, #tpu.memory_space<vmem>>
      %dma_wait3A_557 = arith.constant 0 : i32
      %dma_wait3A_558 = arith.constant 0 : i32
      %dma_wait3A_559 = tpu.memref_slice %arg9[%dma_wait3A_557, %dma_wait3A_558] : memref<5000x128xf32, #tpu.memory_space<vmem_shared>> -> memref<5000x128xf32, #tpu.memory_space<vmem_shared>>
      tpu.wait_indirect_dma semaphore(%arg12 : memref<!tpu.dma_semaphore, #tpu.memory_space<semaphore_mem>>) src(%dma_wait3A_559 : memref<5000x128xf32, #tpu.memory_space<vmem_shared>>) dst(%dma_wait3A_553 : memref<64x128xf32, #tpu.memory_space<vmem>>)
      %mul3A_560 = arith.constant 128 : i32
      %mul3A_561 = arith.muli %add3A_549, %mul3A_560 : i32
      %add3A_562 = arith.addi %mul3A_2, %mul3A_561 : i32
      %add3A_563 = arith.constant 0 : i32
      %add3A_564 = arith.addi %add3A_562, %add3A_563 : i32
      %dma_start3A_565 = arith.constant 0 : i32
      %dma_start3A_566 = arith.constant 0 : i32
      %dma_start3A_567 = tpu.memref_slice %arg7[%dma_start3A_565, %dma_start3A_566] : memref<128x128xf32, #tpu.memory_space<vmem>> -> memref<64x128xf32, #tpu.memory_space<vmem>>
      %dma_start3A_568 = arith.constant 0 : i32
      %dma_start3A_569 = tpu.memref_slice %arg4[%add3A_564, %dma_start3A_568] : memref<819200x128xf32, #tpu.memory_space<hbm>> -> memref<64x128xf32, #tpu.memory_space<hbm>>
      %dma_start3A_570 = arith.constant 0 : i32
      %dma_start3A_571 = tpu.memref_slice %arg4[%add3A_564, %dma_start3A_570] : memref<819200x128xf32, #tpu.memory_space<hbm>> -> memref<64x128xf32, #tpu.memory_space<hbm>>
      %dma_start3A_572 = arith.constant 0 : i32
      %dma_start3A_573 = arith.constant 0 : i32
      %dma_start3A_574 = tpu.memref_slice %arg7[%dma_start3A_572, %dma_start3A_573] : memref<128x128xf32, #tpu.memory_space<vmem>> -> memref<64x128xf32, #tpu.memory_space<vmem>>
      tpu.enqueue_dma source(%dma_start3A_574 : memref<64x128xf32, #tpu.memory_space<vmem>>) target(%dma_start3A_571 : memref<64x128xf32, #tpu.memory_space<hbm>>) target_semaphore(%arg18 : memref<!tpu.dma_semaphore, #tpu.memory_space<semaphore_mem>>)
      %dma_wait3A_575 = arith.constant 0 : i32
      %dma_wait3A_576 = arith.constant 64 : i32
      %dma_wait3A_577 = arith.constant 0 : i32
      %dma_wait3A_578 = tpu.memref_slice %arg7[%dma_wait3A_576, %dma_wait3A_577] : memref<128x128xf32, #tpu.memory_space<vmem>> -> memref<64x128xf32, #tpu.memory_space<vmem>>
      %dma_wait3A_579 = arith.constant 0 : i32
      %dma_wait3A_580 = tpu.memref_slice %arg5[%dma_wait3A_575, %dma_wait3A_579] : memref<200x128xi32, #tpu.memory_space<vmem>> -> memref<1x64xi32, #tpu.memory_space<vmem>>
      %dma_wait3A_581 = tpu.memref_squeeze %dma_wait3A_580 : memref<1x64xi32, #tpu.memory_space<vmem>> -> memref<64xi32, #tpu.memory_space<vmem>>
      %dma_wait3A_582 = arith.constant 0 : i32
      %dma_wait3A_583 = arith.constant 0 : i32
      %dma_wait3A_584 = tpu.memref_slice %arg9[%dma_wait3A_582, %dma_wait3A_583] : memref<5000x128xf32, #tpu.memory_space<vmem_shared>> -> memref<5000x128xf32, #tpu.memory_space<vmem_shared>>
      tpu.wait_indirect_dma semaphore(%arg13 : memref<!tpu.dma_semaphore, #tpu.memory_space<semaphore_mem>>) src(%dma_wait3A_584 : memref<5000x128xf32, #tpu.memory_space<vmem_shared>>) dst(%dma_wait3A_578 : memref<64x128xf32, #tpu.memory_space<vmem>>)
      %mul3A_585 = arith.constant 128 : i32
      %mul3A_586 = arith.muli %add3A_549, %mul3A_585 : i32
      %add3A_587 = arith.addi %mul3A_2, %mul3A_586 : i32
      %add3A_588 = arith.constant 64 : i32
      %add3A_589 = arith.addi %add3A_587, %add3A_588 : i32
      %dma_start3A_590 = arith.constant 64 : i32
      %dma_start3A_591 = arith.constant 0 : i32
      %dma_start3A_592 = tpu.memref_slice %arg7[%dma_start3A_590, %dma_start3A_591] : memref<128x128xf32, #tpu.memory_space<vmem>> -> memref<64x128xf32, #tpu.memory_space<vmem>>
      %dma_start3A_593 = arith.constant 0 : i32
      %dma_start3A_594 = tpu.memref_slice %arg4[%add3A_589, %dma_start3A_593] : memref<819200x128xf32, #tpu.memory_space<hbm>> -> memref<64x128xf32, #tpu.memory_space<hbm>>
      %dma_start3A_595 = arith.constant 0 : i32
      %dma_start3A_596 = tpu.memref_slice %arg4[%add3A_589, %dma_start3A_595] : memref<819200x128xf32, #tpu.memory_space<hbm>> -> memref<64x128xf32, #tpu.memory_space<hbm>>
      %dma_start3A_597 = arith.constant 64 : i32
      %dma_start3A_598 = arith.constant 0 : i32
      %dma_start3A_599 = tpu.memref_slice %arg7[%dma_start3A_597, %dma_start3A_598] : memref<128x128xf32, #tpu.memory_space<vmem>> -> memref<64x128xf32, #tpu.memory_space<vmem>>
      tpu.enqueue_dma source(%dma_start3A_599 : memref<64x128xf32, #tpu.memory_space<vmem>>) target(%dma_start3A_596 : memref<64x128xf32, #tpu.memory_space<hbm>>) target_semaphore(%arg19 : memref<!tpu.dma_semaphore, #tpu.memory_space<semaphore_mem>>)
      %dma_wait3A_600 = arith.constant 0 : i32
      %dma_wait3A_601 = arith.constant 0 : i32
      %dma_wait3A_602 = tpu.memref_slice %arg6[%dma_wait3A_600, %dma_wait3A_601] : memref<128x128xf32, #tpu.memory_space<vmem>> -> memref<64x128xf32, #tpu.memory_space<vmem>>
      %dma_wait3A_603 = arith.constant 0 : i32
      %dma_wait3A_604 = tpu.memref_slice %arg4[%mul3A_2, %dma_wait3A_603] : memref<819200x128xf32, #tpu.memory_space<hbm>> -> memref<64x128xf32, #tpu.memory_space<hbm>>
      %dma_wait3A_605 = arith.constant 0 : i32
      %dma_wait3A_606 = tpu.memref_slice %arg4[%mul3A_2, %dma_wait3A_605] : memref<819200x128xf32, #tpu.memory_space<hbm>> -> memref<64x128xf32, #tpu.memory_space<hbm>>
      %dma_wait3A_607 = arith.constant 0 : i32
      %dma_wait3A_608 = arith.constant 0 : i32
      %dma_wait3A_609 = tpu.memref_slice %arg6[%dma_wait3A_607, %dma_wait3A_608] : memref<128x128xf32, #tpu.memory_space<vmem>> -> memref<64x128xf32, #tpu.memory_space<vmem>>
      tpu.wait_dma2 semaphore(%arg16 : memref<!tpu.dma_semaphore, #tpu.memory_space<semaphore_mem>>) src(%dma_wait3A_609 : memref<64x128xf32, #tpu.memory_space<vmem>>) dst(%dma_wait3A_606 : memref<64x128xf32, #tpu.memory_space<hbm>>)
      %dma_wait3A_610 = arith.constant 64 : i32
      %dma_wait3A_611 = arith.constant 0 : i32
      %dma_wait3A_612 = tpu.memref_slice %arg6[%dma_wait3A_610, %dma_wait3A_611] : memref<128x128xf32, #tpu.memory_space<vmem>> -> memref<64x128xf32, #tpu.memory_space<vmem>>
      %dma_wait3A_613 = arith.constant 0 : i32
      %dma_wait3A_614 = tpu.memref_slice %arg4[%mul3A_2, %dma_wait3A_613] : memref<819200x128xf32, #tpu.memory_space<hbm>> -> memref<64x128xf32, #tpu.memory_space<hbm>>
      %dma_wait3A_615 = arith.constant 0 : i32
      %dma_wait3A_616 = tpu.memref_slice %arg4[%mul3A_2, %dma_wait3A_615] : memref<819200x128xf32, #tpu.memory_space<hbm>> -> memref<64x128xf32, #tpu.memory_space<hbm>>
      %dma_wait3A_617 = arith.constant 64 : i32
      %dma_wait3A_618 = arith.constant 0 : i32
      %dma_wait3A_619 = tpu.memref_slice %arg6[%dma_wait3A_617, %dma_wait3A_618] : memref<128x128xf32, #tpu.memory_space<vmem>> -> memref<64x128xf32, #tpu.memory_space<vmem>>
      tpu.wait_dma2 semaphore(%arg17 : memref<!tpu.dma_semaphore, #tpu.memory_space<semaphore_mem>>) src(%dma_wait3A_619 : memref<64x128xf32, #tpu.memory_space<vmem>>) dst(%dma_wait3A_616 : memref<64x128xf32, #tpu.memory_space<hbm>>)
      %add3A_620 = arith.constant 2 : i32
      %add3A_621 = arith.addi %add3A_549, %add3A_620 : i32
      %dma_start3A_622 = arith.constant 0 : i32
      %dma_start3A_623 = arith.constant 0 : i32
      %dma_start3A_624 = tpu.memref_slice %arg6[%dma_start3A_622, %dma_start3A_623] : memref<128x128xf32, #tpu.memory_space<vmem>> -> memref<64x128xf32, #tpu.memory_space<vmem>>
      %dma_start3A_625 = arith.constant 0 : i32
      %dma_start3A_626 = tpu.memref_slice %arg5[%add3A_621, %dma_start3A_625] : memref<200x128xi32, #tpu.memory_space<vmem>> -> memref<1x64xi32, #tpu.memory_space<vmem>>
      %dma_start3A_627 = tpu.memref_squeeze %dma_start3A_626 : memref<1x64xi32, #tpu.memory_space<vmem>> -> memref<64xi32, #tpu.memory_space<vmem>>
      %dma_start3A_628 = arith.constant 0 : i32
      %dma_start3A_629 = arith.constant 0 : i32
      %dma_start3A_630 = tpu.memref_slice %arg9[%dma_start3A_628, %dma_start3A_629] : memref<5000x128xf32, #tpu.memory_space<vmem_shared>> -> memref<5000x128xf32, #tpu.memory_space<vmem_shared>>
      tpu.enqueue_indirect_dma source(%dma_start3A_630 : memref<5000x128xf32, #tpu.memory_space<vmem_shared>>) target(%dma_start3A_624 : memref<64x128xf32, #tpu.memory_space<vmem>>) offsets(%dma_start3A_627 : memref<64xi32, #tpu.memory_space<vmem>>) semaphore(%arg10 : memref<!tpu.dma_semaphore, #tpu.memory_space<semaphore_mem>>)
      %dma_start3A_631 = arith.constant 64 : i32
      %dma_start3A_632 = arith.constant 0 : i32
      %dma_start3A_633 = tpu.memref_slice %arg6[%dma_start3A_631, %dma_start3A_632] : memref<128x128xf32, #tpu.memory_space<vmem>> -> memref<64x128xf32, #tpu.memory_space<vmem>>
      %dma_start3A_634 = arith.constant 64 : i32
      %dma_start3A_635 = tpu.memref_slice %arg5[%add3A_621, %dma_start3A_634] : memref<200x128xi32, #tpu.memory_space<vmem>> -> memref<1x64xi32, #tpu.memory_space<vmem>>
      %dma_start3A_636 = tpu.memref_squeeze %dma_start3A_635 : memref<1x64xi32, #tpu.memory_space<vmem>> -> memref<64xi32, #tpu.memory_space<vmem>>
      %dma_start3A_637 = arith.constant 0 : i32
      %dma_start3A_638 = arith.constant 0 : i32
      %dma_start3A_639 = tpu.memref_slice %arg9[%dma_start3A_637, %dma_start3A_638] : memref<5000x128xf32, #tpu.memory_space<vmem_shared>> -> memref<5000x128xf32, #tpu.memory_space<vmem_shared>>
      tpu.enqueue_indirect_dma source(%dma_start3A_639 : memref<5000x128xf32, #tpu.memory_space<vmem_shared>>) target(%dma_start3A_633 : memref<64x128xf32, #tpu.memory_space<vmem>>) offsets(%dma_start3A_636 : memref<64xi32, #tpu.memory_space<vmem>>) semaphore(%arg11 : memref<!tpu.dma_semaphore, #tpu.memory_space<semaphore_mem>>)
      %mul3A_640 = arith.constant 3 : i32
      %mul3A_641 = arith.muli %mul3A_640, %scan3A_451 : i32
      %add3A_642 = arith.constant 2 : i32
      %add3A_643 = arith.addi %mul3A_641, %add3A_642 : i32
      %dma_wait3A_644 = arith.constant 0 : i32
      %dma_wait3A_645 = arith.constant 0 : i32
      %dma_wait3A_646 = arith.constant 0 : i32
      %dma_wait3A_647 = tpu.memref_slice %arg8[%dma_wait3A_645, %dma_wait3A_646] : memref<128x128xf32, #tpu.memory_space<vmem>> -> memref<64x128xf32, #tpu.memory_space<vmem>>
      %dma_wait3A_648 = arith.constant 0 : i32
      %dma_wait3A_649 = tpu.memref_slice %arg5[%dma_wait3A_644, %dma_wait3A_648] : memref<200x128xi32, #tpu.memory_space<vmem>> -> memref<1x64xi32, #tpu.memory_space<vmem>>
      %dma_wait3A_650 = tpu.memref_squeeze %dma_wait3A_649 : memref<1x64xi32, #tpu.memory_space<vmem>> -> memref<64xi32, #tpu.memory_space<vmem>>
      %dma_wait3A_651 = arith.constant 0 : i32
      %dma_wait3A_652 = arith.constant 0 : i32
      %dma_wait3A_653 = tpu.memref_slice %arg9[%dma_wait3A_651, %dma_wait3A_652] : memref<5000x128xf32, #tpu.memory_space<vmem_shared>> -> memref<5000x128xf32, #tpu.memory_space<vmem_shared>>
      tpu.wait_indirect_dma semaphore(%arg14 : memref<!tpu.dma_semaphore, #tpu.memory_space<semaphore_mem>>) src(%dma_wait3A_653 : memref<5000x128xf32, #tpu.memory_space<vmem_shared>>) dst(%dma_wait3A_647 : memref<64x128xf32, #tpu.memory_space<vmem>>)
      %mul3A_654 = arith.constant 128 : i32
      %mul3A_655 = arith.muli %add3A_643, %mul3A_654 : i32
      %add3A_656 = arith.addi %mul3A_2, %mul3A_655 : i32
      %add3A_657 = arith.constant 0 : i32
      %add3A_658 = arith.addi %add3A_656, %add3A_657 : i32
      %dma_start3A_659 = arith.constant 0 : i32
      %dma_start3A_660 = arith.constant 0 : i32
      %dma_start3A_661 = tpu.memref_slice %arg8[%dma_start3A_659, %dma_start3A_660] : memref<128x128xf32, #tpu.memory_space<vmem>> -> memref<64x128xf32, #tpu.memory_space<vmem>>
      %dma_start3A_662 = arith.constant 0 : i32
      %dma_start3A_663 = tpu.memref_slice %arg4[%add3A_658, %dma_start3A_662] : memref<819200x128xf32, #tpu.memory_space<hbm>> -> memref<64x128xf32, #tpu.memory_space<hbm>>
      %dma_start3A_664 = arith.constant 0 : i32
      %dma_start3A_665 = tpu.memref_slice %arg4[%add3A_658, %dma_start3A_664] : memref<819200x128xf32, #tpu.memory_space<hbm>> -> memref<64x128xf32, #tpu.memory_space<hbm>>
      %dma_start3A_666 = arith.constant 0 : i32
      %dma_start3A_667 = arith.constant 0 : i32
      %dma_start3A_668 = tpu.memref_slice %arg8[%dma_start3A_666, %dma_start3A_667] : memref<128x128xf32, #tpu.memory_space<vmem>> -> memref<64x128xf32, #tpu.memory_space<vmem>>
      tpu.enqueue_dma source(%dma_start3A_668 : memref<64x128xf32, #tpu.memory_space<vmem>>) target(%dma_start3A_665 : memref<64x128xf32, #tpu.memory_space<hbm>>) target_semaphore(%arg20 : memref<!tpu.dma_semaphore, #tpu.memory_space<semaphore_mem>>)
      %dma_wait3A_669 = arith.constant 0 : i32
      %dma_wait3A_670 = arith.constant 64 : i32
      %dma_wait3A_671 = arith.constant 0 : i32
      %dma_wait3A_672 = tpu.memref_slice %arg8[%dma_wait3A_670, %dma_wait3A_671] : memref<128x128xf32, #tpu.memory_space<vmem>> -> memref<64x128xf32, #tpu.memory_space<vmem>>
      %dma_wait3A_673 = arith.constant 0 : i32
      %dma_wait3A_674 = tpu.memref_slice %arg5[%dma_wait3A_669, %dma_wait3A_673] : memref<200x128xi32, #tpu.memory_space<vmem>> -> memref<1x64xi32, #tpu.memory_space<vmem>>
      %dma_wait3A_675 = tpu.memref_squeeze %dma_wait3A_674 : memref<1x64xi32, #tpu.memory_space<vmem>> -> memref<64xi32, #tpu.memory_space<vmem>>
      %dma_wait3A_676 = arith.constant 0 : i32
      %dma_wait3A_677 = arith.constant 0 : i32
      %dma_wait3A_678 = tpu.memref_slice %arg9[%dma_wait3A_676, %dma_wait3A_677] : memref<5000x128xf32, #tpu.memory_space<vmem_shared>> -> memref<5000x128xf32, #tpu.memory_space<vmem_shared>>
      tpu.wait_indirect_dma semaphore(%arg15 : memref<!tpu.dma_semaphore, #tpu.memory_space<semaphore_mem>>) src(%dma_wait3A_678 : memref<5000x128xf32, #tpu.memory_space<vmem_shared>>) dst(%dma_wait3A_672 : memref<64x128xf32, #tpu.memory_space<vmem>>)
      %mul3A_679 = arith.constant 128 : i32
      %mul3A_680 = arith.muli %add3A_643, %mul3A_679 : i32
      %add3A_681 = arith.addi %mul3A_2, %mul3A_680 : i32
      %add3A_682 = arith.constant 64 : i32
      %add3A_683 = arith.addi %add3A_681, %add3A_682 : i32
      %dma_start3A_684 = arith.constant 64 : i32
      %dma_start3A_685 = arith.constant 0 : i32
      %dma_start3A_686 = tpu.memref_slice %arg8[%dma_start3A_684, %dma_start3A_685] : memref<128x128xf32, #tpu.memory_space<vmem>> -> memref<64x128xf32, #tpu.memory_space<vmem>>
      %dma_start3A_687 = arith.constant 0 : i32
      %dma_start3A_688 = tpu.memref_slice %arg4[%add3A_683, %dma_start3A_687] : memref<819200x128xf32, #tpu.memory_space<hbm>> -> memref<64x128xf32, #tpu.memory_space<hbm>>
      %dma_start3A_689 = arith.constant 0 : i32
      %dma_start3A_690 = tpu.memref_slice %arg4[%add3A_683, %dma_start3A_689] : memref<819200x128xf32, #tpu.memory_space<hbm>> -> memref<64x128xf32, #tpu.memory_space<hbm>>
      %dma_start3A_691 = arith.constant 64 : i32
      %dma_start3A_692 = arith.constant 0 : i32
      %dma_start3A_693 = tpu.memref_slice %arg8[%dma_start3A_691, %dma_start3A_692] : memref<128x128xf32, #tpu.memory_space<vmem>> -> memref<64x128xf32, #tpu.memory_space<vmem>>
      tpu.enqueue_dma source(%dma_start3A_693 : memref<64x128xf32, #tpu.memory_space<vmem>>) target(%dma_start3A_690 : memref<64x128xf32, #tpu.memory_space<hbm>>) target_semaphore(%arg21 : memref<!tpu.dma_semaphore, #tpu.memory_space<semaphore_mem>>)
      %dma_wait3A_694 = arith.constant 0 : i32
      %dma_wait3A_695 = arith.constant 0 : i32
      %dma_wait3A_696 = tpu.memref_slice %arg7[%dma_wait3A_694, %dma_wait3A_695] : memref<128x128xf32, #tpu.memory_space<vmem>> -> memref<64x128xf32, #tpu.memory_space<vmem>>
      %dma_wait3A_697 = arith.constant 0 : i32
      %dma_wait3A_698 = tpu.memref_slice %arg4[%mul3A_2, %dma_wait3A_697] : memref<819200x128xf32, #tpu.memory_space<hbm>> -> memref<64x128xf32, #tpu.memory_space<hbm>>
      %dma_wait3A_699 = arith.constant 0 : i32
      %dma_wait3A_700 = tpu.memref_slice %arg4[%mul3A_2, %dma_wait3A_699] : memref<819200x128xf32, #tpu.memory_space<hbm>> -> memref<64x128xf32, #tpu.memory_space<hbm>>
      %dma_wait3A_701 = arith.constant 0 : i32
      %dma_wait3A_702 = arith.constant 0 : i32
      %dma_wait3A_703 = tpu.memref_slice %arg7[%dma_wait3A_701, %dma_wait3A_702] : memref<128x128xf32, #tpu.memory_space<vmem>> -> memref<64x128xf32, #tpu.memory_space<vmem>>
      tpu.wait_dma2 semaphore(%arg18 : memref<!tpu.dma_semaphore, #tpu.memory_space<semaphore_mem>>) src(%dma_wait3A_703 : memref<64x128xf32, #tpu.memory_space<vmem>>) dst(%dma_wait3A_700 : memref<64x128xf32, #tpu.memory_space<hbm>>)
      %dma_wait3A_704 = arith.constant 64 : i32
      %dma_wait3A_705 = arith.constant 0 : i32
      %dma_wait3A_706 = tpu.memref_slice %arg7[%dma_wait3A_704, %dma_wait3A_705] : memref<128x128xf32, #tpu.memory_space<vmem>> -> memref<64x128xf32, #tpu.memory_space<vmem>>
      %dma_wait3A_707 = arith.constant 0 : i32
      %dma_wait3A_708 = tpu.memref_slice %arg4[%mul3A_2, %dma_wait3A_707] : memref<819200x128xf32, #tpu.memory_space<hbm>> -> memref<64x128xf32, #tpu.memory_space<hbm>>
      %dma_wait3A_709 = arith.constant 0 : i32
      %dma_wait3A_710 = tpu.memref_slice %arg4[%mul3A_2, %dma_wait3A_709] : memref<819200x128xf32, #tpu.memory_space<hbm>> -> memref<64x128xf32, #tpu.memory_space<hbm>>
      %dma_wait3A_711 = arith.constant 64 : i32
      %dma_wait3A_712 = arith.constant 0 : i32
      %dma_wait3A_713 = tpu.memref_slice %arg7[%dma_wait3A_711, %dma_wait3A_712] : memref<128x128xf32, #tpu.memory_space<vmem>> -> memref<64x128xf32, #tpu.memory_space<vmem>>
      tpu.wait_dma2 semaphore(%arg19 : memref<!tpu.dma_semaphore, #tpu.memory_space<semaphore_mem>>) src(%dma_wait3A_713 : memref<64x128xf32, #tpu.memory_space<vmem>>) dst(%dma_wait3A_710 : memref<64x128xf32, #tpu.memory_space<hbm>>)
      %add3A_714 = arith.constant 2 : i32
      %add3A_715 = arith.addi %add3A_643, %add3A_714 : i32
      %dma_start3A_716 = arith.constant 0 : i32
      %dma_start3A_717 = arith.constant 0 : i32
      %dma_start3A_718 = tpu.memref_slice %arg7[%dma_start3A_716, %dma_start3A_717] : memref<128x128xf32, #tpu.memory_space<vmem>> -> memref<64x128xf32, #tpu.memory_space<vmem>>
      %dma_start3A_719 = arith.constant 0 : i32
      %dma_start3A_720 = tpu.memref_slice %arg5[%add3A_715, %dma_start3A_719] : memref<200x128xi32, #tpu.memory_space<vmem>> -> memref<1x64xi32, #tpu.memory_space<vmem>>
      %dma_start3A_721 = tpu.memref_squeeze %dma_start3A_720 : memref<1x64xi32, #tpu.memory_space<vmem>> -> memref<64xi32, #tpu.memory_space<vmem>>
      %dma_start3A_722 = arith.constant 0 : i32
      %dma_start3A_723 = arith.constant 0 : i32
      %dma_start3A_724 = tpu.memref_slice %arg9[%dma_start3A_722, %dma_start3A_723] : memref<5000x128xf32, #tpu.memory_space<vmem_shared>> -> memref<5000x128xf32, #tpu.memory_space<vmem_shared>>
      tpu.enqueue_indirect_dma source(%dma_start3A_724 : memref<5000x128xf32, #tpu.memory_space<vmem_shared>>) target(%dma_start3A_718 : memref<64x128xf32, #tpu.memory_space<vmem>>) offsets(%dma_start3A_721 : memref<64xi32, #tpu.memory_space<vmem>>) semaphore(%arg12 : memref<!tpu.dma_semaphore, #tpu.memory_space<semaphore_mem>>)
      %dma_start3A_725 = arith.constant 64 : i32
      %dma_start3A_726 = arith.constant 0 : i32
      %dma_start3A_727 = tpu.memref_slice %arg7[%dma_start3A_725, %dma_start3A_726] : memref<128x128xf32, #tpu.memory_space<vmem>> -> memref<64x128xf32, #tpu.memory_space<vmem>>
      %dma_start3A_728 = arith.constant 64 : i32
      %dma_start3A_729 = tpu.memref_slice %arg5[%add3A_715, %dma_start3A_728] : memref<200x128xi32, #tpu.memory_space<vmem>> -> memref<1x64xi32, #tpu.memory_space<vmem>>
      %dma_start3A_730 = tpu.memref_squeeze %dma_start3A_729 : memref<1x64xi32, #tpu.memory_space<vmem>> -> memref<64xi32, #tpu.memory_space<vmem>>
      %dma_start3A_731 = arith.constant 0 : i32
      %dma_start3A_732 = arith.constant 0 : i32
      %dma_start3A_733 = tpu.memref_slice %arg9[%dma_start3A_731, %dma_start3A_732] : memref<5000x128xf32, #tpu.memory_space<vmem_shared>> -> memref<5000x128xf32, #tpu.memory_space<vmem_shared>>
      tpu.enqueue_indirect_dma source(%dma_start3A_733 : memref<5000x128xf32, #tpu.memory_space<vmem_shared>>) target(%dma_start3A_727 : memref<64x128xf32, #tpu.memory_space<vmem>>) offsets(%dma_start3A_730 : memref<64xi32, #tpu.memory_space<vmem>>) semaphore(%arg13 : memref<!tpu.dma_semaphore, #tpu.memory_space<semaphore_mem>>)
    }
    %scan3A_294 = arith.constant 65 : i32
    %dma_wait3A_295 = arith.constant 0 : i32
    %dma_wait3A_296 = arith.constant 0 : i32
    %dma_wait3A_297 = arith.constant 0 : i32
    %dma_wait3A_298 = tpu.memref_slice %arg6[%dma_wait3A_296, %dma_wait3A_297] : memref<128x128xf32, #tpu.memory_space<vmem>> -> memref<64x128xf32, #tpu.memory_space<vmem>>
    %dma_wait3A_299 = arith.constant 0 : i32
    %dma_wait3A_300 = tpu.memref_slice %arg5[%dma_wait3A_295, %dma_wait3A_299] : memref<200x128xi32, #tpu.memory_space<vmem>> -> memref<1x64xi32, #tpu.memory_space<vmem>>
    %dma_wait3A_301 = tpu.memref_squeeze %dma_wait3A_300 : memref<1x64xi32, #tpu.memory_space<vmem>> -> memref<64xi32, #tpu.memory_space<vmem>>
    %dma_wait3A_302 = arith.constant 0 : i32
    %dma_wait3A_303 = arith.constant 0 : i32
    %dma_wait3A_304 = tpu.memref_slice %arg9[%dma_wait3A_302, %dma_wait3A_303] : memref<5000x128xf32, #tpu.memory_space<vmem_shared>> -> memref<5000x128xf32, #tpu.memory_space<vmem_shared>>
    tpu.wait_indirect_dma semaphore(%arg10 : memref<!tpu.dma_semaphore, #tpu.memory_space<semaphore_mem>>) src(%dma_wait3A_304 : memref<5000x128xf32, #tpu.memory_space<vmem_shared>>) dst(%dma_wait3A_298 : memref<64x128xf32, #tpu.memory_space<vmem>>)
    %add3A_305 = arith.constant 25344 : i32
    %add3A_306 = arith.addi %mul3A_2, %add3A_305 : i32
    %add3A_307 = arith.constant 0 : i32
    %add3A_308 = arith.addi %add3A_306, %add3A_307 : i32
    %dma_start3A_309 = arith.constant 0 : i32
    %dma_start3A_310 = arith.constant 0 : i32
    %dma_start3A_311 = tpu.memref_slice %arg6[%dma_start3A_309, %dma_start3A_310] : memref<128x128xf32, #tpu.memory_space<vmem>> -> memref<64x128xf32, #tpu.memory_space<vmem>>
    %dma_start3A_312 = arith.constant 0 : i32
    %dma_start3A_313 = tpu.memref_slice %arg4[%add3A_308, %dma_start3A_312] : memref<819200x128xf32, #tpu.memory_space<hbm>> -> memref<64x128xf32, #tpu.memory_space<hbm>>
    %dma_start3A_314 = arith.constant 0 : i32
    %dma_start3A_315 = tpu.memref_slice %arg4[%add3A_308, %dma_start3A_314] : memref<819200x128xf32, #tpu.memory_space<hbm>> -> memref<64x128xf32, #tpu.memory_space<hbm>>
    %dma_start3A_316 = arith.constant 0 : i32
    %dma_start3A_317 = arith.constant 0 : i32
    %dma_start3A_318 = tpu.memref_slice %arg6[%dma_start3A_316, %dma_start3A_317] : memref<128x128xf32, #tpu.memory_space<vmem>> -> memref<64x128xf32, #tpu.memory_space<vmem>>
    tpu.enqueue_dma source(%dma_start3A_318 : memref<64x128xf32, #tpu.memory_space<vmem>>) target(%dma_start3A_315 : memref<64x128xf32, #tpu.memory_space<hbm>>) target_semaphore(%arg16 : memref<!tpu.dma_semaphore, #tpu.memory_space<semaphore_mem>>)
    %dma_wait3A_319 = arith.constant 0 : i32
    %dma_wait3A_320 = arith.constant 64 : i32
    %dma_wait3A_321 = arith.constant 0 : i32
    %dma_wait3A_322 = tpu.memref_slice %arg6[%dma_wait3A_320, %dma_wait3A_321] : memref<128x128xf32, #tpu.memory_space<vmem>> -> memref<64x128xf32, #tpu.memory_space<vmem>>
    %dma_wait3A_323 = arith.constant 0 : i32
    %dma_wait3A_324 = tpu.memref_slice %arg5[%dma_wait3A_319, %dma_wait3A_323] : memref<200x128xi32, #tpu.memory_space<vmem>> -> memref<1x64xi32, #tpu.memory_space<vmem>>
    %dma_wait3A_325 = tpu.memref_squeeze %dma_wait3A_324 : memref<1x64xi32, #tpu.memory_space<vmem>> -> memref<64xi32, #tpu.memory_space<vmem>>
    %dma_wait3A_326 = arith.constant 0 : i32
    %dma_wait3A_327 = arith.constant 0 : i32
    %dma_wait3A_328 = tpu.memref_slice %arg9[%dma_wait3A_326, %dma_wait3A_327] : memref<5000x128xf32, #tpu.memory_space<vmem_shared>> -> memref<5000x128xf32, #tpu.memory_space<vmem_shared>>
    tpu.wait_indirect_dma semaphore(%arg11 : memref<!tpu.dma_semaphore, #tpu.memory_space<semaphore_mem>>) src(%dma_wait3A_328 : memref<5000x128xf32, #tpu.memory_space<vmem_shared>>) dst(%dma_wait3A_322 : memref<64x128xf32, #tpu.memory_space<vmem>>)
    %add3A_329 = arith.constant 25344 : i32
    %add3A_330 = arith.addi %mul3A_2, %add3A_329 : i32
    %add3A_331 = arith.constant 64 : i32
    %add3A_332 = arith.addi %add3A_330, %add3A_331 : i32
    %dma_start3A_333 = arith.constant 64 : i32
    %dma_start3A_334 = arith.constant 0 : i32
    %dma_start3A_335 = tpu.memref_slice %arg6[%dma_start3A_333, %dma_start3A_334] : memref<128x128xf32, #tpu.memory_space<vmem>> -> memref<64x128xf32, #tpu.memory_space<vmem>>
    %dma_start3A_336 = arith.constant 0 : i32
    %dma_start3A_337 = tpu.memref_slice %arg4[%add3A_332, %dma_start3A_336] : memref<819200x128xf32, #tpu.memory_space<hbm>> -> memref<64x128xf32, #tpu.memory_space<hbm>>
    %dma_start3A_338 = arith.constant 0 : i32
    %dma_start3A_339 = tpu.memref_slice %arg4[%add3A_332, %dma_start3A_338] : memref<819200x128xf32, #tpu.memory_space<hbm>> -> memref<64x128xf32, #tpu.memory_space<hbm>>
    %dma_start3A_340 = arith.constant 64 : i32
    %dma_start3A_341 = arith.constant 0 : i32
    %dma_start3A_342 = tpu.memref_slice %arg6[%dma_start3A_340, %dma_start3A_341] : memref<128x128xf32, #tpu.memory_space<vmem>> -> memref<64x128xf32, #tpu.memory_space<vmem>>
    tpu.enqueue_dma source(%dma_start3A_342 : memref<64x128xf32, #tpu.memory_space<vmem>>) target(%dma_start3A_339 : memref<64x128xf32, #tpu.memory_space<hbm>>) target_semaphore(%arg17 : memref<!tpu.dma_semaphore, #tpu.memory_space<semaphore_mem>>)
    %dma_wait3A_343 = arith.constant 0 : i32
    %dma_wait3A_344 = arith.constant 0 : i32
    %dma_wait3A_345 = tpu.memref_slice %arg8[%dma_wait3A_343, %dma_wait3A_344] : memref<128x128xf32, #tpu.memory_space<vmem>> -> memref<64x128xf32, #tpu.memory_space<vmem>>
    %dma_wait3A_346 = arith.constant 0 : i32
    %dma_wait3A_347 = tpu.memref_slice %arg4[%mul3A_2, %dma_wait3A_346] : memref<819200x128xf32, #tpu.memory_space<hbm>> -> memref<64x128xf32, #tpu.memory_space<hbm>>
    %dma_wait3A_348 = arith.constant 0 : i32
    %dma_wait3A_349 = tpu.memref_slice %arg4[%mul3A_2, %dma_wait3A_348] : memref<819200x128xf32, #tpu.memory_space<hbm>> -> memref<64x128xf32, #tpu.memory_space<hbm>>
    %dma_wait3A_350 = arith.constant 0 : i32
    %dma_wait3A_351 = arith.constant 0 : i32
    %dma_wait3A_352 = tpu.memref_slice %arg8[%dma_wait3A_350, %dma_wait3A_351] : memref<128x128xf32, #tpu.memory_space<vmem>> -> memref<64x128xf32, #tpu.memory_space<vmem>>
    tpu.wait_dma2 semaphore(%arg20 : memref<!tpu.dma_semaphore, #tpu.memory_space<semaphore_mem>>) src(%dma_wait3A_352 : memref<64x128xf32, #tpu.memory_space<vmem>>) dst(%dma_wait3A_349 : memref<64x128xf32, #tpu.memory_space<hbm>>)
    %dma_wait3A_353 = arith.constant 64 : i32
    %dma_wait3A_354 = arith.constant 0 : i32
    %dma_wait3A_355 = tpu.memref_slice %arg8[%dma_wait3A_353, %dma_wait3A_354] : memref<128x128xf32, #tpu.memory_space<vmem>> -> memref<64x128xf32, #tpu.memory_space<vmem>>
    %dma_wait3A_356 = arith.constant 0 : i32
    %dma_wait3A_357 = tpu.memref_slice %arg4[%mul3A_2, %dma_wait3A_356] : memref<819200x128xf32, #tpu.memory_space<hbm>> -> memref<64x128xf32, #tpu.memory_space<hbm>>
    %dma_wait3A_358 = arith.constant 0 : i32
    %dma_wait3A_359 = tpu.memref_slice %arg4[%mul3A_2, %dma_wait3A_358] : memref<819200x128xf32, #tpu.memory_space<hbm>> -> memref<64x128xf32, #tpu.memory_space<hbm>>
    %dma_wait3A_360 = arith.constant 64 : i32
    %dma_wait3A_361 = arith.constant 0 : i32
    %dma_wait3A_362 = tpu.memref_slice %arg8[%dma_wait3A_360, %dma_wait3A_361] : memref<128x128xf32, #tpu.memory_space<vmem>> -> memref<64x128xf32, #tpu.memory_space<vmem>>
    tpu.wait_dma2 semaphore(%arg21 : memref<!tpu.dma_semaphore, #tpu.memory_space<semaphore_mem>>) src(%dma_wait3A_362 : memref<64x128xf32, #tpu.memory_space<vmem>>) dst(%dma_wait3A_359 : memref<64x128xf32, #tpu.memory_space<hbm>>)
    %dma_wait3A_363 = arith.constant 0 : i32
    %dma_wait3A_364 = arith.constant 0 : i32
    %dma_wait3A_365 = arith.constant 0 : i32
    %dma_wait3A_366 = tpu.memref_slice %arg7[%dma_wait3A_364, %dma_wait3A_365] : memref<128x128xf32, #tpu.memory_space<vmem>> -> memref<64x128xf32, #tpu.memory_space<vmem>>
    %dma_wait3A_367 = arith.constant 0 : i32
    %dma_wait3A_368 = tpu.memref_slice %arg5[%dma_wait3A_363, %dma_wait3A_367] : memref<200x128xi32, #tpu.memory_space<vmem>> -> memref<1x64xi32, #tpu.memory_space<vmem>>
    %dma_wait3A_369 = tpu.memref_squeeze %dma_wait3A_368 : memref<1x64xi32, #tpu.memory_space<vmem>> -> memref<64xi32, #tpu.memory_space<vmem>>
    %dma_wait3A_370 = arith.constant 0 : i32
    %dma_wait3A_371 = arith.constant 0 : i32
    %dma_wait3A_372 = tpu.memref_slice %arg9[%dma_wait3A_370, %dma_wait3A_371] : memref<5000x128xf32, #tpu.memory_space<vmem_shared>> -> memref<5000x128xf32, #tpu.memory_space<vmem_shared>>
    tpu.wait_indirect_dma semaphore(%arg12 : memref<!tpu.dma_semaphore, #tpu.memory_space<semaphore_mem>>) src(%dma_wait3A_372 : memref<5000x128xf32, #tpu.memory_space<vmem_shared>>) dst(%dma_wait3A_366 : memref<64x128xf32, #tpu.memory_space<vmem>>)
    %add3A_373 = arith.constant 25472 : i32
    %add3A_374 = arith.addi %mul3A_2, %add3A_373 : i32
    %add3A_375 = arith.constant 0 : i32
    %add3A_376 = arith.addi %add3A_374, %add3A_375 : i32
    %dma_start3A_377 = arith.constant 0 : i32
    %dma_start3A_378 = arith.constant 0 : i32
    %dma_start3A_379 = tpu.memref_slice %arg7[%dma_start3A_377, %dma_start3A_378] : memref<128x128xf32, #tpu.memory_space<vmem>> -> memref<64x128xf32, #tpu.memory_space<vmem>>
    %dma_start3A_380 = arith.constant 0 : i32
    %dma_start3A_381 = tpu.memref_slice %arg4[%add3A_376, %dma_start3A_380] : memref<819200x128xf32, #tpu.memory_space<hbm>> -> memref<64x128xf32, #tpu.memory_space<hbm>>
    %dma_start3A_382 = arith.constant 0 : i32
    %dma_start3A_383 = tpu.memref_slice %arg4[%add3A_376, %dma_start3A_382] : memref<819200x128xf32, #tpu.memory_space<hbm>> -> memref<64x128xf32, #tpu.memory_space<hbm>>
    %dma_start3A_384 = arith.constant 0 : i32
    %dma_start3A_385 = arith.constant 0 : i32
    %dma_start3A_386 = tpu.memref_slice %arg7[%dma_start3A_384, %dma_start3A_385] : memref<128x128xf32, #tpu.memory_space<vmem>> -> memref<64x128xf32, #tpu.memory_space<vmem>>
    tpu.enqueue_dma source(%dma_start3A_386 : memref<64x128xf32, #tpu.memory_space<vmem>>) target(%dma_start3A_383 : memref<64x128xf32, #tpu.memory_space<hbm>>) target_semaphore(%arg18 : memref<!tpu.dma_semaphore, #tpu.memory_space<semaphore_mem>>)
    %dma_wait3A_387 = arith.constant 0 : i32
    %dma_wait3A_388 = arith.constant 64 : i32
    %dma_wait3A_389 = arith.constant 0 : i32
    %dma_wait3A_390 = tpu.memref_slice %arg7[%dma_wait3A_388, %dma_wait3A_389] : memref<128x128xf32, #tpu.memory_space<vmem>> -> memref<64x128xf32, #tpu.memory_space<vmem>>
    %dma_wait3A_391 = arith.constant 0 : i32
    %dma_wait3A_392 = tpu.memref_slice %arg5[%dma_wait3A_387, %dma_wait3A_391] : memref<200x128xi32, #tpu.memory_space<vmem>> -> memref<1x64xi32, #tpu.memory_space<vmem>>
    %dma_wait3A_393 = tpu.memref_squeeze %dma_wait3A_392 : memref<1x64xi32, #tpu.memory_space<vmem>> -> memref<64xi32, #tpu.memory_space<vmem>>
    %dma_wait3A_394 = arith.constant 0 : i32
    %dma_wait3A_395 = arith.constant 0 : i32
    %dma_wait3A_396 = tpu.memref_slice %arg9[%dma_wait3A_394, %dma_wait3A_395] : memref<5000x128xf32, #tpu.memory_space<vmem_shared>> -> memref<5000x128xf32, #tpu.memory_space<vmem_shared>>
    tpu.wait_indirect_dma semaphore(%arg13 : memref<!tpu.dma_semaphore, #tpu.memory_space<semaphore_mem>>) src(%dma_wait3A_396 : memref<5000x128xf32, #tpu.memory_space<vmem_shared>>) dst(%dma_wait3A_390 : memref<64x128xf32, #tpu.memory_space<vmem>>)
    %add3A_397 = arith.constant 25472 : i32
    %add3A_398 = arith.addi %mul3A_2, %add3A_397 : i32
    %add3A_399 = arith.constant 64 : i32
    %add3A_400 = arith.addi %add3A_398, %add3A_399 : i32
    %dma_start3A_401 = arith.constant 64 : i32
    %dma_start3A_402 = arith.constant 0 : i32
    %dma_start3A_403 = tpu.memref_slice %arg7[%dma_start3A_401, %dma_start3A_402] : memref<128x128xf32, #tpu.memory_space<vmem>> -> memref<64x128xf32, #tpu.memory_space<vmem>>
    %dma_start3A_404 = arith.constant 0 : i32
    %dma_start3A_405 = tpu.memref_slice %arg4[%add3A_400, %dma_start3A_404] : memref<819200x128xf32, #tpu.memory_space<hbm>> -> memref<64x128xf32, #tpu.memory_space<hbm>>
    %dma_start3A_406 = arith.constant 0 : i32
    %dma_start3A_407 = tpu.memref_slice %arg4[%add3A_400, %dma_start3A_406] : memref<819200x128xf32, #tpu.memory_space<hbm>> -> memref<64x128xf32, #tpu.memory_space<hbm>>
    %dma_start3A_408 = arith.constant 64 : i32
    %dma_start3A_409 = arith.constant 0 : i32
    %dma_start3A_410 = tpu.memref_slice %arg7[%dma_start3A_408, %dma_start3A_409] : memref<128x128xf32, #tpu.memory_space<vmem>> -> memref<64x128xf32, #tpu.memory_space<vmem>>
    tpu.enqueue_dma source(%dma_start3A_410 : memref<64x128xf32, #tpu.memory_space<vmem>>) target(%dma_start3A_407 : memref<64x128xf32, #tpu.memory_space<hbm>>) target_semaphore(%arg19 : memref<!tpu.dma_semaphore, #tpu.memory_space<semaphore_mem>>)
    %dma_wait3A_411 = arith.constant 0 : i32
    %dma_wait3A_412 = arith.constant 0 : i32
    %dma_wait3A_413 = tpu.memref_slice %arg6[%dma_wait3A_411, %dma_wait3A_412] : memref<128x128xf32, #tpu.memory_space<vmem>> -> memref<64x128xf32, #tpu.memory_space<vmem>>
    %dma_wait3A_414 = arith.constant 0 : i32
    %dma_wait3A_415 = tpu.memref_slice %arg4[%mul3A_2, %dma_wait3A_414] : memref<819200x128xf32, #tpu.memory_space<hbm>> -> memref<64x128xf32, #tpu.memory_space<hbm>>
    %dma_wait3A_416 = arith.constant 0 : i32
    %dma_wait3A_417 = tpu.memref_slice %arg4[%mul3A_2, %dma_wait3A_416] : memref<819200x128xf32, #tpu.memory_space<hbm>> -> memref<64x128xf32, #tpu.memory_space<hbm>>
    %dma_wait3A_418 = arith.constant 0 : i32
    %dma_wait3A_419 = arith.constant 0 : i32
    %dma_wait3A_420 = tpu.memref_slice %arg6[%dma_wait3A_418, %dma_wait3A_419] : memref<128x128xf32, #tpu.memory_space<vmem>> -> memref<64x128xf32, #tpu.memory_space<vmem>>
    tpu.wait_dma2 semaphore(%arg16 : memref<!tpu.dma_semaphore, #tpu.memory_space<semaphore_mem>>) src(%dma_wait3A_420 : memref<64x128xf32, #tpu.memory_space<vmem>>) dst(%dma_wait3A_417 : memref<64x128xf32, #tpu.memory_space<hbm>>)
    %dma_wait3A_421 = arith.constant 64 : i32
    %dma_wait3A_422 = arith.constant 0 : i32
    %dma_wait3A_423 = tpu.memref_slice %arg6[%dma_wait3A_421, %dma_wait3A_422] : memref<128x128xf32, #tpu.memory_space<vmem>> -> memref<64x128xf32, #tpu.memory_space<vmem>>
    %dma_wait3A_424 = arith.constant 0 : i32
    %dma_wait3A_425 = tpu.memref_slice %arg4[%mul3A_2, %dma_wait3A_424] : memref<819200x128xf32, #tpu.memory_space<hbm>> -> memref<64x128xf32, #tpu.memory_space<hbm>>
    %dma_wait3A_426 = arith.constant 0 : i32
    %dma_wait3A_427 = tpu.memref_slice %arg4[%mul3A_2, %dma_wait3A_426] : memref<819200x128xf32, #tpu.memory_space<hbm>> -> memref<64x128xf32, #tpu.memory_space<hbm>>
    %dma_wait3A_428 = arith.constant 64 : i32
    %dma_wait3A_429 = arith.constant 0 : i32
    %dma_wait3A_430 = tpu.memref_slice %arg6[%dma_wait3A_428, %dma_wait3A_429] : memref<128x128xf32, #tpu.memory_space<vmem>> -> memref<64x128xf32, #tpu.memory_space<vmem>>
    tpu.wait_dma2 semaphore(%arg17 : memref<!tpu.dma_semaphore, #tpu.memory_space<semaphore_mem>>) src(%dma_wait3A_430 : memref<64x128xf32, #tpu.memory_space<vmem>>) dst(%dma_wait3A_427 : memref<64x128xf32, #tpu.memory_space<hbm>>)
    %dma_wait3A_431 = arith.constant 0 : i32
    %dma_wait3A_432 = arith.constant 0 : i32
    %dma_wait3A_433 = tpu.memref_slice %arg7[%dma_wait3A_431, %dma_wait3A_432] : memref<128x128xf32, #tpu.memory_space<vmem>> -> memref<64x128xf32, #tpu.memory_space<vmem>>
    %dma_wait3A_434 = arith.constant 0 : i32
    %dma_wait3A_435 = tpu.memref_slice %arg4[%mul3A_2, %dma_wait3A_434] : memref<819200x128xf32, #tpu.memory_space<hbm>> -> memref<64x128xf32, #tpu.memory_space<hbm>>
    %dma_wait3A_436 = arith.constant 0 : i32
    %dma_wait3A_437 = tpu.memref_slice %arg4[%mul3A_2, %dma_wait3A_436] : memref<819200x128xf32, #tpu.memory_space<hbm>> -> memref<64x128xf32, #tpu.memory_space<hbm>>
    %dma_wait3A_438 = arith.constant 0 : i32
    %dma_wait3A_439 = arith.constant 0 : i32
    %dma_wait3A_440 = tpu.memref_slice %arg7[%dma_wait3A_438, %dma_wait3A_439] : memref<128x128xf32, #tpu.memory_space<vmem>> -> memref<64x128xf32, #tpu.memory_space<vmem>>
    tpu.wait_dma2 semaphore(%arg18 : memref<!tpu.dma_semaphore, #tpu.memory_space<semaphore_mem>>) src(%dma_wait3A_440 : memref<64x128xf32, #tpu.memory_space<vmem>>) dst(%dma_wait3A_437 : memref<64x128xf32, #tpu.memory_space<hbm>>)
    %dma_wait3A_441 = arith.constant 64 : i32
    %dma_wait3A_442 = arith.constant 0 : i32
    %dma_wait3A_443 = tpu.memref_slice %arg7[%dma_wait3A_441, %dma_wait3A_442] : memref<128x128xf32, #tpu.memory_space<vmem>> -> memref<64x128xf32, #tpu.memory_space<vmem>>
    %dma_wait3A_444 = arith.constant 0 : i32
    %dma_wait3A_445 = tpu.memref_slice %arg4[%mul3A_2, %dma_wait3A_444] : memref<819200x128xf32, #tpu.memory_space<hbm>> -> memref<64x128xf32, #tpu.memory_space<hbm>>
    %dma_wait3A_446 = arith.constant 0 : i32
    %dma_wait3A_447 = tpu.memref_slice %arg4[%mul3A_2, %dma_wait3A_446] : memref<819200x128xf32, #tpu.memory_space<hbm>> -> memref<64x128xf32, #tpu.memory_space<hbm>>
    %dma_wait3A_448 = arith.constant 64 : i32
    %dma_wait3A_449 = arith.constant 0 : i32
    %dma_wait3A_450 = tpu.memref_slice %arg7[%dma_wait3A_448, %dma_wait3A_449] : memref<128x128xf32, #tpu.memory_space<vmem>> -> memref<64x128xf32, #tpu.memory_space<vmem>>
    tpu.wait_dma2 semaphore(%arg19 : memref<!tpu.dma_semaphore, #tpu.memory_space<semaphore_mem>>) src(%dma_wait3A_450 : memref<64x128xf32, #tpu.memory_space<vmem>>) dst(%dma_wait3A_447 : memref<64x128xf32, #tpu.memory_space<hbm>>)
    return
  }
}

</mosaic_0001>

<sc_bundles>
// kernel: kernel.3.cloned.1.call-start
scs
__scs_entry_jumppad:
0x0: {  	(pc) =	sbr.rel $0x88, $3  }
0x1: {  	(tag) =	ssettag $0x0;
	lr =	simm.s32 $0x1  }
0x2: {  	[smem:$0x3F9F] =	sst lr;
	_ =	strace $0xD0000000  }
0x3: {  	_ = 	snop  }
0x4: {  	_ = 	snop  }
0x5: {  	_ = 	snop  }
0x6: {  	_ = 	snop  }
0x7: {  	_ = 	snop  }
__scs_overlays_trampoline_lowered:
0x8: {  	[smem:$0x3FAE] =	sst s0  }
0x9: {  	[smem:$0x3FAF] =	sst s1  }
0xa: {  	[smem:$0x3FB0] =	sst s2  }
0xb: {  	[smem:$0x3FB1] =	sst s3  }
0xc: {  	[smem:$0x3FB2] =	sst s4  }
0xd: {  	[smem:$0x3FB3] =	sst s5  }
0xe: {  	[smem:$0x3FB4] =	sst s6  }
0xf: {  	[smem:$0x3FB5] =	sst s7  }
0x10: {  	[smem:$0x3FB6] =	sst s8  }
0x11: {  	[smem:$0x3FB7] =	sst s9;
	s0 =	simm.s32 @!p0 $0x0  }
0x12: {  	s1 =	sld [smem:$0x3F9D];
	s0 =	simm.s32 @p0 $0x1  }
0x13: {  	[smem:$0x3FB8] =	sst s0;
	s0 =	simm.s32 @!p1 $0x0  }
0x14: {  	s2 =	sld [smem:$0x3F9C];
	s0 =	simm.s32 @p1 $0x1  }
0x15: {  	[smem:$0x3FB9] =	sst s0;
	s0 =	simm.s32 @!p2 $0x0  }
0x16: {  	s3 =	sld [smem:$0x3FDB];
	s0 =	simm.s32 @p2 $0x1  }
0x17: {  	s4 =	simm.s32 $0x1BF5;
	[smem:$0x3FBB] =	sst s0  }
0x18: {  	s0 =	sld [smem:$0x3F9E];
	_ =	swait.ge [sflag:s4], $0x0  }
0x19: {  	s7 =	sld [smem:$0x3F9F]  }
0x1a: {  	s8 =	sadd.s32 $0xFFFFE003, lr  }
0x1b: {  	s9 =	sadd.s32 $0xFFFFFEF7, lr;
	s5 =	simm.s32 $0xFFFFFFFF;
	p2 =	slt.u32 s8, $0xFFFFF086  }
0x1c: {  	p1 =	slt.u32 s9, $0xF7A;
	s5 =	simm.s32 @!p2 $0x0  }
0x1d: {  	s5 =	simm.s32 @p1 $0x1;
	p0 =	seq.s32 s7, s2  }
0x1e: {  	s7 =	smul.u32 @!p0 $0xF7A, s2;
	p2 =	seq.s32 @!p0 s5, $0x0  }
0x1f: {  	s9 =	smul.u32 $0xF7A, s1;
	s8 =	simm.s32 @!p0 $0x1BF5;
	p2 =	por !p2, p0  }
0x20: {  	[sflag:s8] =	ssyncset.s32 @!p0 $0xFFFFF086;
	s6 =	sadd.s32 @!p0 s3, s7;
	s7 =	simm.s32 @!p0 $0x108  }
0x21: {  	s3 =	sadd.s32 s3, s9;
	s6 =	sadd.s32 @!p0 $0x88, s6;
	s7 =	simm.s32 @p2 $0x1082  }
0x22: {  	[simem:s7], [sflag:s8] =	dma.local @!p0 [hbm:s6], $0xF7A  }
0x23: {  	s9 =	sor.u32 $0xD0000000, s2;
	s6 =	simm.s32 $0x108;
	_ =	swait.ge @!p0 [sflag:s8], $0x0  }
0x24: {  	s3 =	sadd.s32 $0x88, s3;
	s6 =	simm.s32 @!p1 $0x1082;
	[sflag:s4] =	ssyncset.s32 $0xFFFFF086  }
0x25: {  	[simem:s6], [sflag:s4] =	dma.local [hbm:s3], $0xF7A  }
0x26: {  	[smem:$0x3F9F] =	sst s1;
	(tag) =	ssettag s2;
	_ =	strace s9  }
0x27: {  	s1 =	sld [smem:$0x3FAF]  }
0x28: {  	s2 =	sld [smem:$0x3FB0]  }
0x29: {  	s4 =	sld [smem:$0x3FB2]  }
0x2a: {  	p0 =	seq.s32 s5, $0x0;
	s5 =	sld [smem:$0x3FB3]  }
0x2b: {  	s6 =	sld [smem:$0x3FB4]  }
0x2c: {  	s7 =	sld [smem:$0x3FB5]  }
0x2d: {  	s3 =	simm.s32 $0x108;
	s8 =	sld [smem:$0x3FB6]  }
0x2e: {  	s3 =	simm.s32 @!p0 $0x1082;
	s9 =	sld [smem:$0x3FB7]  }
0x2f: {  	lr =	sadd.s32 s0, s3;
	s0 =	sld [smem:$0x3FAE]  }
0x30: {  	s3 =	sld [smem:$0x3FB1]  }
0x31: {  	[smem:$0x3FBA] =	sst s10  }
0x32: {  	s10 =	sld [smem:$0x3FB8];
	_ =	sdelay $0x3  }
0x33: {  	p0 =	seq.s32 s10, $0x1;
	s10 =	sld [smem:$0x3FBA];
	_ =	sdelay $0x3  }
0x34: {  	[smem:$0x3FBA] =	sst s10  }
0x35: {  	s10 =	sld [smem:$0x3FB9];
	_ =	sdelay $0x3  }
0x36: {  	p1 =	seq.s32 s10, $0x1;
	s10 =	sld [smem:$0x3FBA];
	_ =	sdelay $0x3  }
0x37: {  	[smem:$0x3FBA] =	sst s10  }
0x38: {  	s10 =	sld [smem:$0x3FBB]  }
0x39: {  	_ = 	snop;
	(pc) =	sbr.ind lr, $3  }
0x3a: {  	_ = 	snop  }
0x3b: {  	_ = 	snop  }
0x3c: {  	p2 =	seq.s32 s10, $0x1;
	s10 =	sld [smem:$0x3FBA]  }
0x3d: {  	_ =	shalt  }
0x3e: {  	_ =	shalt  }
0x3f: {  	_ =	shalt  }
0x40: {  	_ =	shalt  }
0x41: {  	_ =	shalt  }
0x42: {  	_ =	shalt  }
0x43: {  	_ =	shalt  }
0x44: {  	_ =	shalt  }
0x45: {  	_ =	shalt  }
0x46: {  	_ =	shalt  }
0x47: {  	_ =	shalt  }
0x48: {  	_ =	shalt  }
0x49: {  	_ =	shalt  }
0x4a: {  	_ =	shalt  }
0x4b: {  	_ =	shalt  }
0x4c: {  	_ =	shalt  }
0x4d: {  	_ =	shalt  }
0x4e: {  	_ =	shalt  }
0x4f: {  	_ =	shalt  }
0x50: {  	_ =	shalt  }
0x51: {  	_ =	shalt  }
0x52: {  	_ =	shalt  }
0x53: {  	_ =	shalt  }
0x54: {  	_ =	shalt  }
0x55: {  	_ =	shalt  }
0x56: {  	_ =	shalt  }
0x57: {  	_ =	shalt  }
0x58: {  	_ =	shalt  }
0x59: {  	_ =	shalt  }
0x5a: {  	_ =	shalt  }
0x5b: {  	_ =	shalt  }
0x5c: {  	_ =	shalt  }
0x5d: {  	_ =	shalt  }
0x5e: {  	_ =	shalt  }
0x5f: {  	_ =	shalt  }
0x60: {  	_ =	shalt  }
0x61: {  	_ =	shalt  }
0x62: {  	_ =	shalt  }
0x63: {  	_ =	shalt  }
0x64: {  	_ =	shalt  }
0x65: {  	_ =	shalt  }
0x66: {  	_ =	shalt  }
0x67: {  	_ =	shalt  }
0x68: {  	_ =	shalt  }
0x69: {  	_ =	shalt  }
0x6a: {  	_ =	shalt  }
0x6b: {  	_ =	shalt  }
0x6c: {  	_ =	shalt  }
0x6d: {  	_ =	shalt  }
0x6e: {  	_ =	shalt  }
0x6f: {  	_ =	shalt  }
0x70: {  	_ =	shalt  }
0x71: {  	_ =	shalt  }
0x72: {  	_ =	shalt  }
0x73: {  	_ =	shalt  }
0x74: {  	_ =	shalt  }
0x75: {  	_ =	shalt  }
0x76: {  	_ =	shalt  }
0x77: {  	_ =	shalt  }
0x78: {  	_ =	shalt  }
0x79: {  	_ =	shalt  }
0x7a: {  	_ =	shalt  }
0x7b: {  	_ =	shalt  }
0x7c: {  	_ =	shalt  }
0x7d: {  	_ =	shalt  }
0x7e: {  	_ =	shalt  }
0x7f: {  	_ =	shalt  }
0x80: {  	_ =	shalt  }
0x81: {  	_ =	shalt  }
0x82: {  	_ =	shalt  }
0x83: {  	_ =	shalt  }
0x84: {  	_ =	shalt  }
0x85: {  	_ =	shalt  }
0x86: {  	_ =	shalt  }
0x87: {  	_ =	shalt  }
.Lfunc_end0:
.L_simem_size_0:
called_computation_lowered:
.L_overlay_start_0:
0x88: {  	s2 =	sld [smem:$0x3FD9]  }
0x89: {  	s3 =	sld [smem:$0x3FFE];
	_ =	sdelay $0x1  }
0x8a: {  	s1 =	srdreg.scid  }
0x8b: {  	s0 =	sand.u32 $0x1, s1  }
0x8c: {  	s17 =	sshll.u32 s0, $0xA;
	s2 =	sadd.s32 s3, s2  }
0x8d: {  	s2 =	sadd.s32 s2, s17  }
0x8e: {  	[smem:$0x3FC6] =	sst s2  }
0x8f: {  	_ = 	snop  }
0x90: {  	s2 =	sld [smem:$0x3FC8]  }
0x91: {  	s18 =	sld [smem:$0x3FD0];
	(tm) =	ssettm $0x1  }
0x92: {  	s4 =	sld [smem:$0x3FFB];
	_ =	sdelay $0x3  }
0x93: {  	_ =	strace s4  }
0x94: {  	s4 =	sld [smem:$0x3FFC];
	_ =	sdelay $0x3  }
0x95: {  	_ =	strace s4  }
0x96: {  	s4 =	sld [smem:$0x3FFD];
	_ =	sdelay $0x3  }
0x97: {  	_ =	strace s4  }
0x98: {  	_ =	strace $0x8FFFFFFF  }
0x99: {  	s19 =	sld [smem:$0x3FDB];
	_ =	sdelay $0x1  }
0x9a: {  	s5 =	simm.s32 $_scs_section_size  }
0x9b: {  	s6 =	simm.s32 $_size__tile_overlayer_lowered;
	s7 =	simm.s32 $_tile_overlayer_lowered  }
0x9c: {  	s22 =	simm.s32 $0x1BFF;
	s21 =	sshll.u32 s7, $0x1;
	s4 =	sadd.s32 s5, s19  }
0x9d: {  	s8 =	simm.s32 $0x0;
	s20 =	sshll.u32 s6, $0x1;
	s6 =	sadd.s32 s21, s4  }
0x9e: {  	[timem:s8], [sflag:s22] =	dma.local [hbm:s6], s20  }
0x9f: {  	_ =	swait.ge [sflag:s22], s20  }
0xa0: {  	s5 =	ssub.s32 $0x0, s20;
	[sflag:s22] =	ssyncset.done $0x0  }
0xa1: {  	[sflag:s22] =	ssyncadd.s32 s5;
	_ =	sdelay $0x1  }
0xa2: {  	s23 =	simm.s32 $0x1B8B  }
0xa3: {  	_ =	swait.ge [sflag:s23], $0x1  }
0xa4: {  	[sflag:s23] =	ssyncset.done $0x0  }
0xa5: {  	s25 =	simm.s32 $0x1B8E;
	s24 =	sld [smem:$0x3FFE];
	[sflag:s23] =	ssyncadd.s32 $0xFFFFFFFF  }
0xa6: {  	s26 =	simm.s32 $execute0_lowered;
	[smem:$0x3FD2] =	sst s25  }
0xa7: {  	s6 =	sshll.u32 s26, $0x1;
	_ =	strace $0x80000046;
	[dreg:$0x1] =	wrdreg $0xFFFFFFFF  }
0xa8: {  	s28 =	simm.s32 $_size_execute0_lowered;
	s4 =	sadd.s32 s4, s6;
	[dreg:$0x0] =	wrdreg $0x0  }
0xa9: {  	s6 =	sshll.u32 s28, $0x1;
	[dreg:$0x2] =	wrdreg s4  }
0xaa: {  	[dreg:$0x3] =	wrdreg s6  }
0xab: {  	[dreg:$0x4] =	wrdreg $0xC0  }
0xac: {  	_ =	task [dreg:s8], $0x5FFFF  }
0xad: {  	[dreg:$0x1] =	wrdreg $0xFFFFFFFF  }
0xae: {  	[dreg:$0x0] =	wrdreg $0x60  }
0xaf: {  	[dreg:$0x2] =	wrdreg s24  }
0xb0: {  	[dreg:$0x3] =	wrdreg s2  }
0xb1: {  	[dreg:$0x4] =	wrdreg s18  }
0xb2: {  	[dreg:$0x5] =	wrdreg $0x124000  }
0xb3: {  	[dreg:$0x6] =	wrdreg $0x9  }
0xb4: {  	_ =	task.clear_ibuf [dreg:s8], $0x7FFFF;
	_ =	strace $0x90000046  }
0xb5: {  	s29 =	simm.s32 $0x9;
	_ =	strace $0x80000048  }
0xb6: {  	_ =	swait.ge [sflag:s29], $0x1  }
0xb7: {  	[sflag:s29] =	ssyncadd.s32 $0xFFFFFFFF  }
0xb8: {  	_ =	strace $0x90000048  }
0xb9: {  	_ =	sfence  }
0xba: {  	s30 =	sld [smem:$0x0];
	_ =	sdelay $0x2  }
0xbb: {  	s31 =	sshll.u32 s1, $0xD;
	s1 =	sshrl.u32 s1, $0x2  }
0xbc: {  	s3 =	sand.u32 $0x4000, s31;
	s1 =	sadd.s32 s1, s30  }
0xbd: {  	s0 =	sor.u32 s3, s0;
	s1 =	sshll.u32 s1, $0x11  }
0xbe: {  	s0 =	sor.u32 s1, s0  }
0xbf: {  	s0 =	sadd.s32 $0x8F2B, s0  }
0xc0: {  	[sflag:s0] =	ssyncadd.remote.s32 $0x1  }
0xc1: {  	_ =	sfence.sel $0xFFFF  }
0xc2: {  	[dreg:$0x0] =	wrdreg $0xFFFFFFFF;
	(pc) =	sbr.abs _section_cstart, $3  }
0xc3: {  	[dreg:$0x1] =	wrdreg $0xFFFFFFFF  }
0xc4: {  	_ =	task.clear_ibuf [dreg:s8], $0x2FFFF;
	_ =	strace $0x9FFFFFFF  }
0xc5: {  	(tm) =	ssettm $0x7FFFFFFF  }
tec
execute0_lowered:
.L_overlay_start_1:
0x0: {  	(tag) =	ssettag $0x1  }
0x1: {  	s0 =	rddreg [dreg:$0x0]  }
0x2: {  	s1 =	rddreg [dreg:$0x1]  }
0x3: {  	s4 =	rddreg [dreg:$0x2]  }
0x4: {  	s2 =	rddreg [dreg:$0x3]  }
0x5: {  	s5 =	srdreg.scid;
	s12 =	stileid.u32;
	s3 =	simm.s32 $0x0  }
0x6: {  	s29 =	simm.s32 $0xE400;
	s31 =	simm.s32 $0x10400;
	s7 =	smul.u32 $0x27000, s12  }
0x7: {  	s28 =	simm.s32 $0x3;
	s30 =	simm.s32 $0x4;
	s11 =	smul.u32 $0x1380, s12  }
0x8: {  	s5 =	sand.u32 $0x1, s5;
	s6 =	sshll.u32 s12, $0x1;
	s25 =	smul.u32 $0xC800, s12  }
0x9: {  	[smem:$0x7FF] =	sst s3;
	s23 =	sshll.u32 s12, $0x6;
	s18 =	smul.u32 $0xC8000, s12  }
0xa: {  	s26 =	sadd.s32 $0x400, s4;
	s6 =	sor.u32 s5, s6;
	s13 =	smul.u32 $0x6400, s5  }
0xb: {  	_ =	strace $0x80000047;
	s9 =	ssub.s32 $0x2, s5;
	s19 =	smul.u32 $0x64000, s5  }
0xc: {  	s5 =	simm.s32 $0xA;
	s8 =	smul.u32 $0xC80, s6;
	s10 =	sshrl.u32 s9, $0x1  }
0xd: {  	s7 =	sshrl.u32 s7, $0x2;
	s1 =	sadd.s32 s1, s11;
	s24 =	smul.u32 $0x64000, s6  }
0xe: {  	s6 =	smul.u32 $0x320000, s6;
	s11 =	simm.s32 $0x0;
	[dreg:$0x9] =	wrdreg s1  }
0xf: {  	s1 =	sor.u32 $0x1C0D, s23;
	s0 =	sadd.s32 s8, s0;
	s8 =	ssub.s32 s9, s10  }
0x10: {  	s9 =	sadd.s32 s7, s2;
	[dreg:$0xa] =	wrdreg s1;
	s7 =	sadd.s32 s4, s24  }
0x11: {  	s10 =	sadd.s32 s24, s26;
	s6 =	sshrl.u32 s6, $0x3;
	s0 =	sadd.s32 $0x400, s0  }
0x12: {  	[dreg:$0xc] =	wrdreg s10;
	s14 =	sadd.s32 $0x800, s7;
	s15 =	sadd.s32 $0xC00, s7  }
0x13: {  	s16 =	sadd.s32 $0x1000, s7;
	s17 =	sadd.s32 $0x1400, s7;
	[dreg:$0xb] =	wrdreg s0  }
0x14: {  	s20 =	sadd.s32 s4, s6;
	s4 =	sadd.s32 s18, s4;
	[dreg:$0xd] =	wrdreg s14  }
0x15: {  	s18 =	sshrl.u32 s9, $0x3;
	s6 =	simm.s32 $0x5;
	[dreg:$0xe] =	wrdreg s15  }
0x16: {  	s9 =	simm.s32 $0xB;
	s10 =	simm.s32 $0xC;
	[dreg:$0xf] =	wrdreg s16  }
0x17: {  	s0 =	sadd.s32 s13, s25;
	[dreg:$0x10] =	wrdreg s17;
	s22 =	sadd.s32 $0x63000, s20  }
0x18: {  	s1 =	sadd.s32 s19, s4;
	s23 =	sadd.s32 $0x63400, s20;
	[dreg:$0x11] =	wrdreg s22  }
0x19: {  	s25 =	sadd.s32 $0x63800, s20;
	s17 =	smax.u32 s8, $0x1;
	[dreg:$0x12] =	wrdreg s23  }
0x1a: {  	s19 =	simm.s32 $0xD;
	s4 =	simm.s32 $0x9;
	[dreg:$0x6] =	wrdreg s1  }
0x1b: {  	s8 =	simm.s32 $0x6;
	s0 =	sshll.u32 s0, $0x4;
	[dreg:$0x13] =	wrdreg s25  }
0x1c: {  	s22 =	simm.s32 $0x8400;
	s0 =	sadd.s32 s0, s26;
	s26 =	sadd.s32 $0x63C00, s20  }
0x1d: {  	s1 =	simm.s32 $0x2;
	s21 =	sadd.s32 $0x2000, s0;
	[dreg:$0x14] =	wrdreg s26  }
0x1e: {  	s23 =	simm.s32 $0x7;
	s24 =	sadd.s32 $0x2800, s0;
	[dreg:$0x5] =	wrdreg s21  }
0x1f: {  	s25 =	simm.s32 $0x8;
	s0 =	sadd.s32 $0x1800, s0;
	[dreg:$0x7] =	wrdreg s24  }
0x20: {  	s20 =	simm.s32 $0x40;
	s26 =	simm.s32 $0xC400;
	[dreg:$0x8] =	wrdreg s0  }
0x21: {  	s21 =	simm.s32 $0x6400;
	s24 =	simm.s32 $0xA400;
	s0 =	simm.s32 $0x1  }
.LBB2_1:
0x22: {  	s12 =	rddreg [dreg:$0x9]  }
0x23: {  	s13 =	rddreg [dreg:$0xa]  }
0x24: {  	[spmem:s18], [sflag:s13] =	dma.local [hbm:s12], $0x1400  }
0x25: {  	_ =	swait.ge [sflag:s19], $0x1400  }
0x26: {  	[sflag:s19] =	ssyncset.done $0x0  }
0x27: {  	s13 =	rddreg [dreg:$0xb];
	[sflag:s19] =	ssyncadd.s32 $0xFFFFEC00  }
0x28: {  	[tilespmem:s3], [sflag:$0xD] =	stream.linear.gather [hbm4b:s13+s3], $0x6400, $0x38;
	[tilespmem:$0x1C040] =	vst v63  }
0x29: {  	_ =	swait.ge [sflag:s19], $0x6400  }
0x2a: {  	[sflag:s19] =	ssyncset.done $0x0  }
0x2b: {  	[sflag:s19] =	ssyncadd.s32 $0xFFFF9C00  }
0x2c: {  	[bflag:$0x0] =	sbarrier.arrive $0xFFFF  }
0x2d: {  	[tilespmem:s21], [sflag:$0x1] =	stream.indirect.gather [spmem:s2], $0x80, s3, s20, $0xb8;
	[tilespmem:$0x1C040] =	vst v63  }
0x2e: {  	_ = 	snop  }
0x2f: {  	[tilespmem:s22], [sflag:$0x2] =	stream.indirect.gather [spmem:s2], $0x80, s20, s20, $0xb8;
	[tilespmem:$0x1C040] =	vst v63  }
0x30: {  	s14 =	simm.s32 $0x80  }
0x31: {  	[tilespmem:s24], [sflag:$0x3] =	stream.indirect.gather [spmem:s2], $0x80, s14, s20, $0xb8;
	[tilespmem:$0x1C040] =	vst v63  }
0x32: {  	s15 =	simm.s32 $0xC0  }
0x33: {  	[tilespmem:s26], [sflag:$0x4] =	stream.indirect.gather [spmem:s2], $0x80, s15, s20, $0xb8;
	[tilespmem:$0x1C040] =	vst v63  }
0x34: {  	s16 =	simm.s32 $0x100  }
0x35: {  	[tilespmem:s29], [sflag:$0x5] =	stream.indirect.gather [spmem:s2], $0x80, s16, s20, $0xb8;
	[tilespmem:$0x1C040] =	vst v63  }
0x36: {  	s13 =	simm.s32 $0x140  }
0x37: {  	[tilespmem:s31], [sflag:$0x6] =	stream.indirect.gather [spmem:s2], $0x80, s13, s20, $0xb8;
	[tilespmem:$0x1C040] =	vst v63  }
0x38: {  	_ =	swait.ge [sflag:s0], $0x2000  }
0x39: {  	[sflag:s0] =	ssyncset.done $0x0  }
0x3a: {  	[sflag:s0] =	ssyncadd.s32 $0xFFFFE000  }
0x3b: {  	[hbm4b:s7+s3] =	stream.linear.scatter [tilespmem:s21], [sflag:$0x7], $0x2000, $0x38;
	[tilespmem:$0x1C040] =	vst v63  }
0x3c: {  	_ =	swait.ge [sflag:s1], $0x2000  }
0x3d: {  	[sflag:s1] =	ssyncset.done $0x0  }
0x3e: {  	s14 =	rddreg [dreg:$0xc];
	[sflag:s1] =	ssyncadd.s32 $0xFFFFE000  }
0x3f: {  	[hbm4b:s14+s3] =	stream.linear.scatter [tilespmem:s22], [sflag:$0x8], $0x2000, $0x38;
	[tilespmem:$0x1C040] =	vst v63  }
0x40: {  	_ =	swait.ge [sflag:s23], $0x2000  }
0x41: {  	[sflag:s23] =	ssyncset.done $0x0  }
0x42: {  	[sflag:s23] =	ssyncadd.s32 $0xFFFFE000  }
0x43: {  	_ =	swait.ge [sflag:s25], $0x2000  }
0x44: {  	[sflag:s25] =	ssyncset.done $0x0  }
0x45: {  	s15 =	simm.s32 $0x180;
	[sflag:s25] =	ssyncadd.s32 $0xFFFFE000  }
0x46: {  	[tilespmem:s21], [sflag:$0x1] =	stream.indirect.gather [spmem:s2], $0x80, s15, s20, $0xb8;
	[tilespmem:$0x1C040] =	vst v63  }
0x47: {  	s16 =	simm.s32 $0x1C0  }
0x48: {  	[tilespmem:s22], [sflag:$0x2] =	stream.indirect.gather [spmem:s2], $0x80, s16, s20, $0xb8;
	[tilespmem:$0x1C040] =	vst v63  }
0x49: {  	_ =	swait.ge [sflag:s28], $0x2000  }
0x4a: {  	[sflag:s28] =	ssyncset.done $0x0  }
0x4b: {  	s13 =	rddreg [dreg:$0xd];
	[sflag:s28] =	ssyncadd.s32 $0xFFFFE000  }
0x4c: {  	[hbm4b:s13+s3] =	stream.linear.scatter [tilespmem:s24], [sflag:$0x9], $0x2000, $0x38;
	[tilespmem:$0x1C040] =	vst v63  }
0x4d: {  	_ =	swait.ge [sflag:s30], $0x2000  }
0x4e: {  	[sflag:s30] =	ssyncset.done $0x0  }
0x4f: {  	s14 =	rddreg [dreg:$0xe];
	[sflag:s30] =	ssyncadd.s32 $0xFFFFE000  }
0x50: {  	[hbm4b:s14+s3] =	stream.linear.scatter [tilespmem:s26], [sflag:$0xA], $0x2000, $0x38;
	[tilespmem:$0x1C040] =	vst v63  }
0x51: {  	_ =	swait.ge [sflag:s4], $0x2000  }
0x52: {  	[sflag:s4] =	ssyncset.done $0x0  }
0x53: {  	[sflag:s4] =	ssyncadd.s32 $0xFFFFE000  }
0x54: {  	_ =	swait.ge [sflag:s5], $0x2000  }
0x55: {  	[sflag:s5] =	ssyncset.done $0x0  }
0x56: {  	s15 =	simm.s32 $0x200;
	[sflag:s5] =	ssyncadd.s32 $0xFFFFE000  }
0x57: {  	[tilespmem:s24], [sflag:$0x3] =	stream.indirect.gather [spmem:s2], $0x80, s15, s20, $0xb8;
	[tilespmem:$0x1C040] =	vst v63  }
0x58: {  	s16 =	simm.s32 $0x240  }
0x59: {  	[tilespmem:s26], [sflag:$0x4] =	stream.indirect.gather [spmem:s2], $0x80, s16, s20, $0xb8;
	[tilespmem:$0x1C040] =	vst v63  }
0x5a: {  	_ =	swait.ge [sflag:s6], $0x2000  }
0x5b: {  	[sflag:s6] =	ssyncset.done $0x0  }
0x5c: {  	s13 =	rddreg [dreg:$0xf];
	[sflag:s6] =	ssyncadd.s32 $0xFFFFE000  }
0x5d: {  	[hbm4b:s13+s3] =	stream.linear.scatter [tilespmem:s29], [sflag:$0xB], $0x2000, $0x38;
	[tilespmem:$0x1C040] =	vst v63  }
0x5e: {  	_ =	swait.ge [sflag:s8], $0x2000  }
0x5f: {  	[sflag:s8] =	ssyncset.done $0x0  }
0x60: {  	s14 =	rddreg [dreg:$0x10];
	[sflag:s8] =	ssyncadd.s32 $0xFFFFE000  }
0x61: {  	[hbm4b:s14+s3] =	stream.linear.scatter [tilespmem:s31], [sflag:$0xC], $0x2000, $0x38;
	[tilespmem:$0x1C040] =	vst v63  }
0x62: {  	_ =	swait.ge [sflag:s0], $0x2000  }
0x63: {  	s15 =	rddreg [dreg:$0x6]  }
0x64: {  	[sflag:s0] =	ssyncset.done $0x0;
	s12 =	sadd.s32 $0x0, s15  }
0x65: {  	[sflag:s0] =	ssyncadd.s32 $0xFFFFE000;
	s16 =	sadd.s32 $0x1800, s12  }
0x66: {  	[hbm4b:s16+s3] =	stream.linear.scatter [tilespmem:s21], [sflag:$0x7], $0x2000, $0x38;
	[tilespmem:$0x1C040] =	vst v63  }
0x67: {  	_ =	swait.ge [sflag:s1], $0x2000  }
0x68: {  	s14 =	rddreg [dreg:$0x8];
	[sflag:s1] =	ssyncset.done $0x0  }
0x69: {  	[sflag:s1] =	ssyncadd.s32 $0xFFFFE000;
	s13 =	sadd.s32 $0x0, s14  }
0x6a: {  	[hbm4b:s13+s3] =	stream.linear.scatter [tilespmem:s22], [sflag:$0x8], $0x2000, $0x38;
	[tilespmem:$0x1C040] =	vst v63  }
0x6b: {  	_ =	swait.ge [sflag:s9], $0x2000  }
0x6c: {  	[sflag:s9] =	ssyncset.done $0x0  }
0x6d: {  	[sflag:s9] =	ssyncadd.s32 $0xFFFFE000  }
0x6e: {  	_ =	swait.ge [sflag:s10], $0x2000  }
0x6f: {  	[sflag:s10] =	ssyncset.done $0x0  }
0x70: {  	s15 =	simm.s32 $0x280;
	[sflag:s10] =	ssyncadd.s32 $0xFFFFE000  }
0x71: {  	[tilespmem:s29], [sflag:$0x5] =	stream.indirect.gather [spmem:s2], $0x80, s15, s20, $0xb8;
	[tilespmem:$0x1C040] =	vst v63  }
0x72: {  	s16 =	simm.s32 $0x2C0  }
0x73: {  	[tilespmem:s31], [sflag:$0x6] =	stream.indirect.gather [spmem:s2], $0x80, s16, s20, $0xb8;
	[tilespmem:$0x1C040] =	vst v63  }
0x74: {  	_ =	swait.ge [sflag:s28], $0x2000  }
0x75: {  	[sflag:s28] =	ssyncset.done $0x0  }
0x76: {  	s14 =	sadd.s32 $0x2000, s12;
	[sflag:s28] =	ssyncadd.s32 $0xFFFFE000  }
0x77: {  	[hbm4b:s14+s3] =	stream.linear.scatter [tilespmem:s24], [sflag:$0x9], $0x2000, $0x38;
	[tilespmem:$0x1C040] =	vst v63  }
0x78: {  	_ =	swait.ge [sflag:s30], $0x2000  }
0x79: {  	s15 =	rddreg [dreg:$0x5];
	[sflag:s30] =	ssyncset.done $0x0  }
0x7a: {  	[sflag:s30] =	ssyncadd.s32 $0xFFFFE000;
	s13 =	sadd.s32 $0x0, s15  }
0x7b: {  	[hbm4b:s13+s3] =	stream.linear.scatter [tilespmem:s26], [sflag:$0xA], $0x2000, $0x38;
	[tilespmem:$0x1C040] =	vst v63  }
0x7c: {  	_ =	swait.ge [sflag:s23], $0x2000  }
0x7d: {  	[sflag:s23] =	ssyncset.done $0x0  }
0x7e: {  	[sflag:s23] =	ssyncadd.s32 $0xFFFFE000  }
0x7f: {  	_ =	swait.ge [sflag:s25], $0x2000  }
0x80: {  	[sflag:s25] =	ssyncset.done $0x0  }
0x81: {  	s16 =	simm.s32 $0x300;
	[sflag:s25] =	ssyncadd.s32 $0xFFFFE000  }
0x82: {  	[tilespmem:s21], [sflag:$0x1] =	stream.indirect.gather [spmem:s2], $0x80, s16, s20, $0xb8;
	[tilespmem:$0x1C040] =	vst v63  }
0x83: {  	s14 =	simm.s32 $0x340  }
0x84: {  	[tilespmem:s22], [sflag:$0x2] =	stream.indirect.gather [spmem:s2], $0x80, s14, s20, $0xb8;
	[tilespmem:$0x1C040] =	vst v63  }
0x85: {  	_ =	swait.ge [sflag:s6], $0x2000  }
0x86: {  	[sflag:s6] =	ssyncset.done $0x0  }
0x87: {  	s12 =	sadd.s32 $0x2800, s12;
	[sflag:s6] =	ssyncadd.s32 $0xFFFFE000  }
0x88: {  	[hbm4b:s12+s3] =	stream.linear.scatter [tilespmem:s29], [sflag:$0xB], $0x2000, $0x38;
	[tilespmem:$0x1C040] =	vst v63  }
0x89: {  	_ =	swait.ge [sflag:s8], $0x2000  }
0x8a: {  	s15 =	rddreg [dreg:$0x7];
	[sflag:s8] =	ssyncset.done $0x0  }
0x8b: {  	[sflag:s8] =	ssyncadd.s32 $0xFFFFE000;
	s12 =	sadd.s32 $0x0, s15  }
0x8c: {  	[hbm4b:s12+s3] =	stream.linear.scatter [tilespmem:s31], [sflag:$0xC], $0x2000, $0x38;
	[tilespmem:$0x1C040] =	vst v63  }
0x8d: {  	_ =	swait.ge [sflag:s4], $0x2000  }
0x8e: {  	[sflag:s4] =	ssyncset.done $0x0  }
0x8f: {  	[sflag:s4] =	ssyncadd.s32 $0xFFFFE000  }
0x90: {  	_ =	swait.ge [sflag:s5], $0x2000  }
0x91: {  	s13 =	simm.s32 $0x400;
	s16 =	simm.s32 $0x380;
	[sflag:s5] =	ssyncset.done $0x0  }
0x92: {  	s14 =	simm.s32 $0x3C0;
	s12 =	simm.s32 $0x1800;
	[sflag:s5] =	ssyncadd.s32 $0xFFFFE000  }
0x93: {  	[tilespmem:s24], [sflag:$0x3] =	stream.indirect.gather [spmem:s2], $0x80, s16, s20, $0xb8;
	[tilespmem:$0x1C040] =	vst v63  }
.LBB2_2:
0x94: {  	[tilespmem:s26], [sflag:$0x4] =	stream.indirect.gather [spmem:s2], $0x80, s14, s20, $0xb8;
	[tilespmem:$0x1C040] =	vst v63  }
0x95: {  	_ =	swait.ge [sflag:s0], $0x2000  }
0x96: {  	s14 =	smov.u32 s12;
	s15 =	rddreg [dreg:$0x6]  }
0x97: {  	[sflag:s0] =	ssyncset.done $0x0;
	s15 =	sadd.s32 s14, s15  }
0x98: {  	[sflag:s0] =	ssyncadd.s32 $0xFFFFE000;
	s16 =	sadd.s32 $0x1800, s15  }
0x99: {  	[hbm4b:s16+s3] =	stream.linear.scatter [tilespmem:s21], [sflag:$0x7], $0x2000, $0x38;
	[tilespmem:$0x1C040] =	vst v63  }
0x9a: {  	_ =	swait.ge [sflag:s1], $0x2000  }
0x9b: {  	s16 =	rddreg [dreg:$0x8];
	[sflag:s1] =	ssyncset.done $0x0  }
0x9c: {  	[sflag:s1] =	ssyncadd.s32 $0xFFFFE000;
	s16 =	sadd.s32 s14, s16  }
0x9d: {  	[hbm4b:s16+s3] =	stream.linear.scatter [tilespmem:s22], [sflag:$0x8], $0x2000, $0x38;
	[tilespmem:$0x1C040] =	vst v63  }
0x9e: {  	_ =	swait.ge [sflag:s9], $0x2000  }
0x9f: {  	[sflag:s9] =	ssyncset.done $0x0  }
0xa0: {  	[sflag:s9] =	ssyncadd.s32 $0xFFFFE000  }
0xa1: {  	_ =	swait.ge [sflag:s10], $0x2000  }
0xa2: {  	[sflag:s10] =	ssyncset.done $0x0  }
0xa3: {  	[sflag:s10] =	ssyncadd.s32 $0xFFFFE000  }
0xa4: {  	[tilespmem:s29], [sflag:$0x5] =	stream.indirect.gather [spmem:s2], $0x80, s13, s20, $0xb8;
	[tilespmem:$0x1C040] =	vst v63  }
0xa5: {  	s16 =	sadd.s32 $0x40, s13  }
0xa6: {  	[tilespmem:s31], [sflag:$0x6] =	stream.indirect.gather [spmem:s2], $0x80, s16, s20, $0xb8;
	[tilespmem:$0x1C040] =	vst v63  }
0xa7: {  	_ =	swait.ge [sflag:s28], $0x2000  }
0xa8: {  	[sflag:s28] =	ssyncset.done $0x0  }
0xa9: {  	s16 =	sadd.s32 $0x2000, s15;
	[sflag:s28] =	ssyncadd.s32 $0xFFFFE000  }
0xaa: {  	[hbm4b:s16+s3] =	stream.linear.scatter [tilespmem:s24], [sflag:$0x9], $0x2000, $0x38;
	[tilespmem:$0x1C040] =	vst v63  }
0xab: {  	_ =	swait.ge [sflag:s30], $0x2000  }
0xac: {  	s16 =	rddreg [dreg:$0x5];
	[sflag:s30] =	ssyncset.done $0x0  }
0xad: {  	[sflag:s30] =	ssyncadd.s32 $0xFFFFE000;
	s16 =	sadd.s32 s14, s16  }
0xae: {  	[hbm4b:s16+s3] =	stream.linear.scatter [tilespmem:s26], [sflag:$0xA], $0x2000, $0x38;
	[tilespmem:$0x1C040] =	vst v63  }
0xaf: {  	_ =	swait.ge [sflag:s23], $0x2000  }
0xb0: {  	[sflag:s23] =	ssyncset.done $0x0  }
0xb1: {  	[sflag:s23] =	ssyncadd.s32 $0xFFFFE000  }
0xb2: {  	_ =	swait.ge [sflag:s25], $0x2000  }
0xb3: {  	[sflag:s25] =	ssyncset.done $0x0  }
0xb4: {  	s16 =	sadd.s32 $0x80, s13;
	[sflag:s25] =	ssyncadd.s32 $0xFFFFE000  }
0xb5: {  	[tilespmem:s21], [sflag:$0x1] =	stream.indirect.gather [spmem:s2], $0x80, s16, s20, $0xb8;
	[tilespmem:$0x1C040] =	vst v63  }
0xb6: {  	s16 =	sadd.s32 $0xC0, s13  }
0xb7: {  	[tilespmem:s22], [sflag:$0x2] =	stream.indirect.gather [spmem:s2], $0x80, s16, s20, $0xb8;
	[tilespmem:$0x1C040] =	vst v63  }
0xb8: {  	_ =	swait.ge [sflag:s6], $0x2000  }
0xb9: {  	[sflag:s6] =	ssyncset.done $0x0  }
0xba: {  	s15 =	sadd.s32 $0x2800, s15;
	[sflag:s6] =	ssyncadd.s32 $0xFFFFE000  }
0xbb: {  	[hbm4b:s15+s3] =	stream.linear.scatter [tilespmem:s29], [sflag:$0xB], $0x2000, $0x38;
	[tilespmem:$0x1C040] =	vst v63  }
0xbc: {  	_ =	swait.ge [sflag:s8], $0x2000  }
0xbd: {  	s16 =	rddreg [dreg:$0x7];
	[sflag:s8] =	ssyncset.done $0x0  }
0xbe: {  	[sflag:s8] =	ssyncadd.s32 $0xFFFFE000;
	s14 =	sadd.s32 s14, s16  }
0xbf: {  	[hbm4b:s14+s3] =	stream.linear.scatter [tilespmem:s31], [sflag:$0xC], $0x2000, $0x38;
	[tilespmem:$0x1C040] =	vst v63  }
0xc0: {  	_ =	swait.ge [sflag:s4], $0x2000  }
0xc1: {  	p0 =	sne.s32 s12, $0x60000;
	[sflag:s4] =	ssyncset.done $0x0  }
.Ltmp0:
0xc2: {  	[sflag:s4] =	ssyncadd.s32 $0xFFFFE000;
	(pc) =	sbr.rel @p0 .LBB2_2-.Ltmp0, $4  }
0xc3: {  	_ =	swait.ge [sflag:s5], $0x2000  }
0xc4: {  	s12 =	sadd.s32 $0x1800, s12;
	s16 =	sadd.s32 $0x100, s13;
	[sflag:s5] =	ssyncset.done $0x0  }
0xc5: {  	s14 =	sadd.s32 $0x140, s13;
	s13 =	sadd.s32 $0x180, s13;
	[sflag:s5] =	ssyncadd.s32 $0xFFFFE000  }
0xc6: {  	[tilespmem:s24], [sflag:$0x3] =	stream.indirect.gather [spmem:s2], $0x80, s16, s20, $0xb8;
	[tilespmem:$0x1C040] =	vst v63  }
0xc7: {  	[tilespmem:s26], [sflag:$0x4] =	stream.indirect.gather [spmem:s2], $0x80, s14, s20, $0xb8;
	[tilespmem:$0x1C040] =	vst v63  }
0xc8: {  	_ =	swait.ge [sflag:s0], $0x2000  }
0xc9: {  	[sflag:s0] =	ssyncset.done $0x0  }
0xca: {  	s12 =	rddreg [dreg:$0x11];
	[sflag:s0] =	ssyncadd.s32 $0xFFFFE000  }
0xcb: {  	[hbm4b:s12+s3] =	stream.linear.scatter [tilespmem:s21], [sflag:$0x7], $0x2000, $0x38;
	[tilespmem:$0x1C040] =	vst v63  }
0xcc: {  	_ =	swait.ge [sflag:s1], $0x2000  }
0xcd: {  	[sflag:s1] =	ssyncset.done $0x0  }
0xce: {  	s14 =	rddreg [dreg:$0x12];
	[sflag:s1] =	ssyncadd.s32 $0xFFFFE000  }
0xcf: {  	[hbm4b:s14+s3] =	stream.linear.scatter [tilespmem:s22], [sflag:$0x8], $0x2000, $0x38;
	[tilespmem:$0x1C040] =	vst v63  }
0xd0: {  	_ =	swait.ge [sflag:s9], $0x2000  }
0xd1: {  	[sflag:s9] =	ssyncset.done $0x0  }
0xd2: {  	[sflag:s9] =	ssyncadd.s32 $0xFFFFE000  }
0xd3: {  	_ =	swait.ge [sflag:s10], $0x2000  }
0xd4: {  	[sflag:s10] =	ssyncset.done $0x0  }
0xd5: {  	[sflag:s10] =	ssyncadd.s32 $0xFFFFE000  }
0xd6: {  	_ =	swait.ge [sflag:s28], $0x2000  }
0xd7: {  	[sflag:s28] =	ssyncset.done $0x0  }
0xd8: {  	s15 =	rddreg [dreg:$0x13];
	[sflag:s28] =	ssyncadd.s32 $0xFFFFE000  }
0xd9: {  	[hbm4b:s15+s3] =	stream.linear.scatter [tilespmem:s24], [sflag:$0x9], $0x2000, $0x38;
	[tilespmem:$0x1C040] =	vst v63  }
0xda: {  	_ =	swait.ge [sflag:s30], $0x2000  }
0xdb: {  	[sflag:s30] =	ssyncset.done $0x0  }
0xdc: {  	s16 =	rddreg [dreg:$0x14];
	[sflag:s30] =	ssyncadd.s32 $0xFFFFE000  }
0xdd: {  	[hbm4b:s16+s3] =	stream.linear.scatter [tilespmem:s26], [sflag:$0xA], $0x2000, $0x38;
	[tilespmem:$0x1C040] =	vst v63  }
0xde: {  	_ =	swait.ge [sflag:s23], $0x2000  }
0xdf: {  	[sflag:s23] =	ssyncset.done $0x0  }
0xe0: {  	[sflag:s23] =	ssyncadd.s32 $0xFFFFE000  }
0xe1: {  	_ =	swait.ge [sflag:s25], $0x2000  }
0xe2: {  	[sflag:s25] =	ssyncset.done $0x0  }
0xe3: {  	s11 =	sadd.s32 $0x1, s11;
	[sflag:s25] =	ssyncadd.s32 $0xFFFFE000  }
0xe4: {  	p0 =	sne.s32 s11, s17;
	_ =	swait.ge [sflag:s4], $0x2000  }
.Ltmp1:
0xe5: {  	[sflag:s4] =	ssyncset.done $0x0;
	(pc) =	sbr.rel @p0 .LBB2_1-.Ltmp1, $4  }
0xe6: {  	[sflag:s4] =	ssyncadd.s32 $0xFFFFE000  }
0xe7: {  	_ =	swait.ge [sflag:s5], $0x2000  }
0xe8: {  	[sflag:s5] =	ssyncset.done $0x0  }
0xe9: {  	[sflag:s5] =	ssyncadd.s32 $0xFFFFE000  }
0xea: {  	_ =	sfence.sel $0x180000  }
0xeb: {  	[bflag:$0x0] =	sbarrier.arrive $0xFFFF  }
0xec: {  	_ =	strace $0x90000047  }
0xed: {  	s0 =	stileid.u32;
	[bflag:$0x2] =	sbarrier.arrive $0xFFFF  }
0xee: {  	p0 =	sne.s32 s0, $0x0;
	s0 =	rddreg [dreg:$0x4]  }
0xef: {  	s0 =	sadd.s32 @!p0 $0x100000, s0  }
0xf0: {  	[sflag:s0] =	ssyncadd.tile.s32 @!p0 $0x1;
	_ =	shalt  }
.Lfunc_end2:
_tile_overlayer_lowered:
.L_overlay_start_2:
0xf1: {  	(tag) =	ssettag $0x2  }
0xf2: {  	s0 =	rddreg [dreg:$0x0];
	s2 =	stileid.u32  }
0xf3: {  	s1 =	rddreg [dreg:$0x1];
	p0 =	sne.s32 s2, $0x0  }
0xf4: {  	s3 =	rddreg [dreg:$0x2];
	[bflag:$0x3] =	sbarrier.arrive $0xFFFF;
	s2 =	simm.s32 @!p0 $0x1C0D  }
0xf5: {  	[timem:s3], [sflag:s2] =	dma.local @!p0 [hbm:s0], s1  }
0xf6: {  	s0 =	simm.s32 @!p0 $0xD  }
0xf7: {  	_ =	swait.ge @!p0 [sflag:s0], s1  }
0xf8: {  	s1 =	ssub.s32 @!p0 $0x0, s1;
	[sflag:s0] =	ssyncset.done @!p0 $0x0  }
0xf9: {  	[sflag:s0] =	ssyncadd.s32 @!p0 s1  }
0xfa: {  	[bflag:$0x3] =	sbarrier.arrive $0xFFFF  }
0xfb: {  	_ =	shalt  }

</sc_bundles>
